<compile_context>
chip_gen: v7x
topology: tpu7x:2x2x1
jax: 0.10.2.dev20260603
libtpu: 0.0.44.dev20260713+nightly
codegen_flags: <defaults>
</compile_context>

<pallas_src>
import functools

import jax
import jax.numpy as jnp
from jax import lax
from jax.experimental import pallas as pl
from jax.experimental.pallas import tpu as pltpu
from jax.experimental.pallas import tpu_sc as plsc

B, C, H, W = 8, 256, 32, 32
N = B * H * W
K = 8192

TN = H * W
CH = 128
NCH = K // CH


def _argmin_body(in_ref, e_ref, idx_ref, e2_ref):
    @pl.when(pl.program_id(0) == 0)
    def _():
        e = e_ref[...]
        e2_ref[...] = jnp.transpose(
            jnp.sum(e * e, axis=1, keepdims=True), (1, 0))

    zf = jnp.transpose(in_ref[0], (1, 0))
    z2 = jnp.sum(zf * zf, axis=1, keepdims=True)
    m2 = lax.dot_general(
        zf + zf, e_ref[...],
        dimension_numbers=(((1,), (1,)), ((), ())),
        preferred_element_type=jnp.float32)
    e2 = e2_ref[...]
    sv = si = None
    for c in range(NCH):
        d_c = (z2 - lax.slice(m2, (0, c * CH), (TN, (c + 1) * CH))) \
              + lax.slice(e2, (0, c * CH), (1, (c + 1) * CH))
        if c == 0:
            sv, si = d_c, jnp.zeros((TN, CH), jnp.int32)
        else:
            lt = d_c < sv
            sv = jnp.where(lt, d_c, sv)
            si = jnp.where(lt, jnp.int32(c), si)
    vmin = jnp.min(sv, axis=1, keepdims=True)
    col = si * CH + lax.broadcasted_iota(jnp.int32, (TN, CH), 1)
    li = jnp.min(jnp.where(sv == vmin, col, jnp.int32(N * 2)), axis=1,
                 keepdims=True)
    idx_ref[...] = li


def _argmin_codes(inp3, codebook):
    nb = inp3.shape[0]
    return pl.pallas_call(
        _argmin_body,
        grid=(nb,),
        in_specs=[
            pl.BlockSpec((1, C, TN), lambda i: (i, 0, 0)),
            pl.BlockSpec((K, C), lambda i: (0, 0)),
        ],
        out_specs=pl.BlockSpec((TN, 1), lambda i: (i, 0)),
        out_shape=jax.ShapeDtypeStruct((nb * TN, 1), jnp.int32),
        scratch_shapes=[pltpu.VMEM((1, K), jnp.float32)],
    )(inp3, codebook)


def _gather_rows(codebook, idx_flat):
    n = idx_flat.shape[0]
    info = plsc.get_sparse_core_info()
    nc, ns = info.num_cores, info.num_subcores
    nw = nc * ns
    bpw = n // nw
    ch = 128
    nch = bpw // ch
    mesh = plsc.VectorSubcoreMesh(core_axis_name="c", subcore_axis_name="s")

    @functools.partial(
        pl.kernel, mesh=mesh,
        out_type=jax.ShapeDtypeStruct((n, C), jnp.float32),
        scratch_types=[
            pltpu.VMEM((bpw,), jnp.int32),
            pltpu.VMEM((nch, ch, C), jnp.float32),
            pltpu.SemaphoreType.DMA,
            pltpu.SemaphoreType.DMA,
        ],
    )
    def gather_k(table_hbm, idx_hbm, out_hbm, idx_v, rows_v, gsem, wsem):
        wid = lax.axis_index("s") * nc + lax.axis_index("c")
        base = wid * bpw
        pltpu.sync_copy(idx_hbm.at[pl.ds(base, bpw)], idx_v)
        cps = [pltpu.async_copy(table_hbm.at[idx_v.at[pl.ds(c * ch, ch)]],
                                rows_v.at[c], gsem)
               for c in range(nch)]
        wbs = []
        for c in range(nch):
            cps[c].wait()
            wbs.append(pltpu.async_copy(
                rows_v.at[c], out_hbm.at[pl.ds(base + c * ch, ch)], wsem))
        for wb in wbs:
            wb.wait()

    return gather_k(codebook, idx_flat)


def kernel(input, codebook):
    inp3 = input.reshape(B, C, TN)
    zidx2d = _argmin_codes(inp3, codebook)
    zidx_flat = zidx2d.reshape(-1)
    rows = _gather_rows(codebook, zidx_flat)
    quant = jnp.transpose(rows.reshape(B, H, W, C), (0, 3, 1, 2))
    return (input, zidx_flat.reshape(B, H, W), quant)

# --- scband reference (transcript-rebuilt; emitter-appended) ---
"""Pipeline reference for scband-vqvae-20890720928595 (READ-ONLY COPY).

The authoritative reference and input builder live on the scoring server;
editing this copy changes nothing except your own understanding.
"""

import jax, jax.numpy as jnp
import numpy as np

B, C, H, W = 8, 256, 32, 32
K = 8192

def setup_inputs(seed: int = 0):
    key = jax.random.key(seed)
    k1, k2 = jax.random.split(key)
    inp = jax.random.normal(k1, (B, C, H, W), dtype=jnp.float32)
    codebook = jax.random.normal(k2, (K, C), dtype=jnp.float32) * 0.02
    return {"input": inp, "codebook": codebook}

def _match(z, e):
    # z: (b,c,h,w); e: (K,c). Mirrors codebook.match(encode, False):
    # squared-distance argmin over codes, plus soft assignment.
    b, c, h, w = z.shape
    zf = jnp.transpose(z, (0, 2, 3, 1)).reshape(-1, c)  # (b*h*w, c)
    d = (jnp.sum(zf * zf, axis=1, keepdims=True)
         - 2.0 * (zf @ e.T)
         + jnp.sum(e * e, axis=1)[None, :])  # (b*h*w, K)
    zsoft = jax.nn.softmax(-d, axis=-1).reshape(b, h, w, K)
    zidx = jnp.argmin(d, axis=-1).reshape(b, h, w)
    return zsoft, zidx

def reference(input, codebook):
    # encode / decode passed as None -> encode acts as identity, decode skipped
    encode = input
    zsoft, zidx = _match(encode, codebook)
    b, c, h, w = encode.shape
    quant = jnp.take(codebook, zidx.reshape(-1), axis=0).reshape(b, h, w, c)
    quant = jnp.transpose(quant, (0, 3, 1, 2))  # (b,c,h,w), matches .permute(0,3,1,2)
    # straight-through grad approx (nu=0): value equals quant
    quant2 = encode + jax.lax.stop_gradient(quant - encode)
    decode = None  # self.decode is falsy
    return (encode, zidx, quant)

if __name__ == "__main__":
    import jax
    _d = setup_inputs()
    print(jax.jit(kernel)(*tuple(_d.values())))

</pallas_src>

<mosaic_0001>
#map = affine_map<(d0, d1) -> (0, 0)>
#map1 = affine_map<(d0, d1) -> (0)>
module attributes {stable_mosaic.version = 14 : i64} {
  func.func @gather_k(%arg0: i32, %arg1: i32, %arg2: memref<8192x256xf32, #tpu.memory_space<hbm>>, %arg3: memref<8192xi32, #tpu.memory_space<hbm>>, %arg4: memref<8192x256xf32, #tpu.memory_space<hbm>>, %arg5: memref<256xi32, #tpu.memory_space<vmem>>, %arg6: memref<2x128x256xf32, #tpu.memory_space<vmem>>, %arg7: memref<!tpu.dma_semaphore, #tpu.memory_space<semaphore_mem>>, %arg8: memref<!tpu.dma_semaphore, #tpu.memory_space<semaphore_mem>>) attributes {dimension_semantics = [#tpu.dimension_semantics<core_parallel>, #tpu.dimension_semantics<subcore_parallel>], iteration_bounds = array<i64: 2, 16>, scalar_prefetch = 0 : i64, scratch_operands = 4 : i64, tpu.core_type = #tpu.core_type<sc_vector_subcore>, window_params = [{transform_indices = #map}, {transform_indices = #map1}, {transform_indices = #map}]} {
    %mul3A = arith.constant 2 : i32
    %mul3A_0 = arith.muli %arg1, %mul3A : i32
    %add3A = arith.addi %mul3A_0, %arg0 : i32
    %mul3A_1 = arith.constant 256 : i32
    %mul3A_2 = arith.muli %add3A, %mul3A_1 : i32
    "tpu.region"() ({
      %run_scoped3A = tpu.sem_alloc : memref<!tpu.dma_semaphore, #tpu.memory_space<semaphore_mem>>
      %dma_start3A_97 = tpu.memref_slice %arg3[%mul3A_2] : memref<8192xi32, #tpu.memory_space<hbm>> -> memref<256xi32, #tpu.memory_space<hbm>>
      %dma_start3A_98 = tpu.memref_slice %arg3[%mul3A_2] : memref<8192xi32, #tpu.memory_space<hbm>> -> memref<256xi32, #tpu.memory_space<hbm>>
      tpu.enqueue_dma source(%dma_start3A_98 : memref<256xi32, #tpu.memory_space<hbm>>) target(%arg5 : memref<256xi32, #tpu.memory_space<vmem>>) target_semaphore(%run_scoped3A : memref<!tpu.dma_semaphore, #tpu.memory_space<semaphore_mem>>)
      %dma_wait3A_99 = tpu.memref_slice %arg3[%mul3A_2] : memref<8192xi32, #tpu.memory_space<hbm>> -> memref<256xi32, #tpu.memory_space<hbm>>
      %dma_wait3A_100 = tpu.memref_slice %arg3[%mul3A_2] : memref<8192xi32, #tpu.memory_space<hbm>> -> memref<256xi32, #tpu.memory_space<hbm>>
      tpu.wait_dma2 semaphore(%run_scoped3A : memref<!tpu.dma_semaphore, #tpu.memory_space<semaphore_mem>>) src(%dma_wait3A_100 : memref<256xi32, #tpu.memory_space<hbm>>) dst(%arg5 : memref<256xi32, #tpu.memory_space<vmem>>)
      tpu.yield
    }) : () -> ()
    %dma_start3A = arith.constant 0 : i32
    %dma_start3A_3 = arith.constant 0 : i32
    %dma_start3A_4 = arith.constant 0 : i32
    %dma_start3A_5 = tpu.memref_slice %arg6[%dma_start3A, %dma_start3A_3, %dma_start3A_4] : memref<2x128x256xf32, #tpu.memory_space<vmem>> -> memref<1x128x256xf32, #tpu.memory_space<vmem>>
    %dma_start3A_6 = tpu.memref_squeeze %dma_start3A_5 : memref<1x128x256xf32, #tpu.memory_space<vmem>> -> memref<128x256xf32, #tpu.memory_space<vmem>>
    %dma_start3A_7 = arith.constant 0 : i32
    %dma_start3A_8 = tpu.memref_slice %arg5[%dma_start3A_7] : memref<256xi32, #tpu.memory_space<vmem>> -> memref<128xi32, #tpu.memory_space<vmem>>
    %dma_start3A_9 = arith.constant 0 : i32
    %dma_start3A_10 = arith.constant 0 : i32
    %dma_start3A_11 = tpu.memref_slice %arg2[%dma_start3A_9, %dma_start3A_10] : memref<8192x256xf32, #tpu.memory_space<hbm>> -> memref<8192x256xf32, #tpu.memory_space<hbm>>
    tpu.enqueue_indirect_dma source(%dma_start3A_11 : memref<8192x256xf32, #tpu.memory_space<hbm>>) target(%dma_start3A_6 : memref<128x256xf32, #tpu.memory_space<vmem>>) offsets(%dma_start3A_8 : memref<128xi32, #tpu.memory_space<vmem>>) semaphore(%arg7 : memref<!tpu.dma_semaphore, #tpu.memory_space<semaphore_mem>>)
    %dma_start3A_12 = arith.constant 1 : i32
    %dma_start3A_13 = arith.constant 0 : i32
    %dma_start3A_14 = arith.constant 0 : i32
    %dma_start3A_15 = tpu.memref_slice %arg6[%dma_start3A_12, %dma_start3A_13, %dma_start3A_14] : memref<2x128x256xf32, #tpu.memory_space<vmem>> -> memref<1x128x256xf32, #tpu.memory_space<vmem>>
    %dma_start3A_16 = tpu.memref_squeeze %dma_start3A_15 : memref<1x128x256xf32, #tpu.memory_space<vmem>> -> memref<128x256xf32, #tpu.memory_space<vmem>>
    %dma_start3A_17 = arith.constant 128 : i32
    %dma_start3A_18 = tpu.memref_slice %arg5[%dma_start3A_17] : memref<256xi32, #tpu.memory_space<vmem>> -> memref<128xi32, #tpu.memory_space<vmem>>
    %dma_start3A_19 = arith.constant 0 : i32
    %dma_start3A_20 = arith.constant 0 : i32
    %dma_start3A_21 = tpu.memref_slice %arg2[%dma_start3A_19, %dma_start3A_20] : memref<8192x256xf32, #tpu.memory_space<hbm>> -> memref<8192x256xf32, #tpu.memory_space<hbm>>
    tpu.enqueue_indirect_dma source(%dma_start3A_21 : memref<8192x256xf32, #tpu.memory_space<hbm>>) target(%dma_start3A_16 : memref<128x256xf32, #tpu.memory_space<vmem>>) offsets(%dma_start3A_18 : memref<128xi32, #tpu.memory_space<vmem>>) semaphore(%arg7 : memref<!tpu.dma_semaphore, #tpu.memory_space<semaphore_mem>>)
    %dma_wait3A = arith.constant 0 : i32
    %dma_wait3A_22 = arith.constant 0 : i32
    %dma_wait3A_23 = arith.constant 0 : i32
    %dma_wait3A_24 = tpu.memref_slice %arg6[%dma_wait3A, %dma_wait3A_22, %dma_wait3A_23] : memref<2x128x256xf32, #tpu.memory_space<vmem>> -> memref<1x128x256xf32, #tpu.memory_space<vmem>>
    %dma_wait3A_25 = tpu.memref_squeeze %dma_wait3A_24 : memref<1x128x256xf32, #tpu.memory_space<vmem>> -> memref<128x256xf32, #tpu.memory_space<vmem>>
    %dma_wait3A_26 = arith.constant 0 : i32
    %dma_wait3A_27 = tpu.memref_slice %arg5[%dma_wait3A_26] : memref<256xi32, #tpu.memory_space<vmem>> -> memref<128xi32, #tpu.memory_space<vmem>>
    %dma_wait3A_28 = arith.constant 0 : i32
    %dma_wait3A_29 = arith.constant 0 : i32
    %dma_wait3A_30 = tpu.memref_slice %arg2[%dma_wait3A_28, %dma_wait3A_29] : memref<8192x256xf32, #tpu.memory_space<hbm>> -> memref<8192x256xf32, #tpu.memory_space<hbm>>
    tpu.wait_indirect_dma semaphore(%arg7 : memref<!tpu.dma_semaphore, #tpu.memory_space<semaphore_mem>>) src(%dma_wait3A_30 : memref<8192x256xf32, #tpu.memory_space<hbm>>) dst(%dma_wait3A_25 : memref<128x256xf32, #tpu.memory_space<vmem>>)
    %add3A_31 = arith.constant 0 : i32
    %add3A_32 = arith.addi %mul3A_2, %add3A_31 : i32
    %dma_start3A_33 = arith.constant 0 : i32
    %dma_start3A_34 = arith.constant 0 : i32
    %dma_start3A_35 = arith.constant 0 : i32
    %dma_start3A_36 = tpu.memref_slice %arg6[%dma_start3A_33, %dma_start3A_34, %dma_start3A_35] : memref<2x128x256xf32, #tpu.memory_space<vmem>> -> memref<1x128x256xf32, #tpu.memory_space<vmem>>
    %dma_start3A_37 = tpu.memref_squeeze %dma_start3A_36 : memref<1x128x256xf32, #tpu.memory_space<vmem>> -> memref<128x256xf32, #tpu.memory_space<vmem>>
    %dma_start3A_38 = arith.constant 0 : i32
    %dma_start3A_39 = tpu.memref_slice %arg4[%add3A_32, %dma_start3A_38] : memref<8192x256xf32, #tpu.memory_space<hbm>> -> memref<128x256xf32, #tpu.memory_space<hbm>>
    %dma_start3A_40 = arith.constant 0 : i32
    %dma_start3A_41 = tpu.memref_slice %arg4[%add3A_32, %dma_start3A_40] : memref<8192x256xf32, #tpu.memory_space<hbm>> -> memref<128x256xf32, #tpu.memory_space<hbm>>
    %dma_start3A_42 = arith.constant 0 : i32
    %dma_start3A_43 = arith.constant 0 : i32
    %dma_start3A_44 = tpu.memref_slice %arg6[%dma_start3A_33, %dma_start3A_42, %dma_start3A_43] : memref<2x128x256xf32, #tpu.memory_space<vmem>> -> memref<1x128x256xf32, #tpu.memory_space<vmem>>
    %dma_start3A_45 = tpu.memref_squeeze %dma_start3A_44 : memref<1x128x256xf32, #tpu.memory_space<vmem>> -> memref<128x256xf32, #tpu.memory_space<vmem>>
    tpu.enqueue_dma source(%dma_start3A_45 : memref<128x256xf32, #tpu.memory_space<vmem>>) target(%dma_start3A_41 : memref<128x256xf32, #tpu.memory_space<hbm>>) target_semaphore(%arg8 : memref<!tpu.dma_semaphore, #tpu.memory_space<semaphore_mem>>)
    %dma_wait3A_46 = arith.constant 1 : i32
    %dma_wait3A_47 = arith.constant 0 : i32
    %dma_wait3A_48 = arith.constant 0 : i32
    %dma_wait3A_49 = tpu.memref_slice %arg6[%dma_wait3A_46, %dma_wait3A_47, %dma_wait3A_48] : memref<2x128x256xf32, #tpu.memory_space<vmem>> -> memref<1x128x256xf32, #tpu.memory_space<vmem>>
    %dma_wait3A_50 = tpu.memref_squeeze %dma_wait3A_49 : memref<1x128x256xf32, #tpu.memory_space<vmem>> -> memref<128x256xf32, #tpu.memory_space<vmem>>
    %dma_wait3A_51 = arith.constant 128 : i32
    %dma_wait3A_52 = tpu.memref_slice %arg5[%dma_wait3A_51] : memref<256xi32, #tpu.memory_space<vmem>> -> memref<128xi32, #tpu.memory_space<vmem>>
    %dma_wait3A_53 = arith.constant 0 : i32
    %dma_wait3A_54 = arith.constant 0 : i32
    %dma_wait3A_55 = tpu.memref_slice %arg2[%dma_wait3A_53, %dma_wait3A_54] : memref<8192x256xf32, #tpu.memory_space<hbm>> -> memref<8192x256xf32, #tpu.memory_space<hbm>>
    tpu.wait_indirect_dma semaphore(%arg7 : memref<!tpu.dma_semaphore, #tpu.memory_space<semaphore_mem>>) src(%dma_wait3A_55 : memref<8192x256xf32, #tpu.memory_space<hbm>>) dst(%dma_wait3A_50 : memref<128x256xf32, #tpu.memory_space<vmem>>)
    %add3A_56 = arith.constant 128 : i32
    %add3A_57 = arith.addi %mul3A_2, %add3A_56 : i32
    %dma_start3A_58 = arith.constant 1 : i32
    %dma_start3A_59 = arith.constant 0 : i32
    %dma_start3A_60 = arith.constant 0 : i32
    %dma_start3A_61 = tpu.memref_slice %arg6[%dma_start3A_58, %dma_start3A_59, %dma_start3A_60] : memref<2x128x256xf32, #tpu.memory_space<vmem>> -> memref<1x128x256xf32, #tpu.memory_space<vmem>>
    %dma_start3A_62 = tpu.memref_squeeze %dma_start3A_61 : memref<1x128x256xf32, #tpu.memory_space<vmem>> -> memref<128x256xf32, #tpu.memory_space<vmem>>
    %dma_start3A_63 = arith.constant 0 : i32
    %dma_start3A_64 = tpu.memref_slice %arg4[%add3A_57, %dma_start3A_63] : memref<8192x256xf32, #tpu.memory_space<hbm>> -> memref<128x256xf32, #tpu.memory_space<hbm>>
    %dma_start3A_65 = arith.constant 0 : i32
    %dma_start3A_66 = tpu.memref_slice %arg4[%add3A_57, %dma_start3A_65] : memref<8192x256xf32, #tpu.memory_space<hbm>> -> memref<128x256xf32, #tpu.memory_space<hbm>>
    %dma_start3A_67 = arith.constant 0 : i32
    %dma_start3A_68 = arith.constant 0 : i32
    %dma_start3A_69 = tpu.memref_slice %arg6[%dma_start3A_58, %dma_start3A_67, %dma_start3A_68] : memref<2x128x256xf32, #tpu.memory_space<vmem>> -> memref<1x128x256xf32, #tpu.memory_space<vmem>>
    %dma_start3A_70 = tpu.memref_squeeze %dma_start3A_69 : memref<1x128x256xf32, #tpu.memory_space<vmem>> -> memref<128x256xf32, #tpu.memory_space<vmem>>
    tpu.enqueue_dma source(%dma_start3A_70 : memref<128x256xf32, #tpu.memory_space<vmem>>) target(%dma_start3A_66 : memref<128x256xf32, #tpu.memory_space<hbm>>) target_semaphore(%arg8 : memref<!tpu.dma_semaphore, #tpu.memory_space<semaphore_mem>>)
    %dma_wait3A_71 = arith.constant 0 : i32
    %dma_wait3A_72 = arith.constant 0 : i32
    %dma_wait3A_73 = arith.constant 0 : i32
    %dma_wait3A_74 = tpu.memref_slice %arg6[%dma_wait3A_71, %dma_wait3A_72, %dma_wait3A_73] : memref<2x128x256xf32, #tpu.memory_space<vmem>> -> memref<1x128x256xf32, #tpu.memory_space<vmem>>
    %dma_wait3A_75 = tpu.memref_squeeze %dma_wait3A_74 : memref<1x128x256xf32, #tpu.memory_space<vmem>> -> memref<128x256xf32, #tpu.memory_space<vmem>>
    %dma_wait3A_76 = arith.constant 0 : i32
    %dma_wait3A_77 = tpu.memref_slice %arg4[%add3A_32, %dma_wait3A_76] : memref<8192x256xf32, #tpu.memory_space<hbm>> -> memref<128x256xf32, #tpu.memory_space<hbm>>
    %dma_wait3A_78 = arith.constant 0 : i32
    %dma_wait3A_79 = tpu.memref_slice %arg4[%add3A_32, %dma_wait3A_78] : memref<8192x256xf32, #tpu.memory_space<hbm>> -> memref<128x256xf32, #tpu.memory_space<hbm>>
    %dma_wait3A_80 = arith.constant 0 : i32
    %dma_wait3A_81 = arith.constant 0 : i32
    %dma_wait3A_82 = tpu.memref_slice %arg6[%dma_wait3A_71, %dma_wait3A_80, %dma_wait3A_81] : memref<2x128x256xf32, #tpu.memory_space<vmem>> -> memref<1x128x256xf32, #tpu.memory_space<vmem>>
    %dma_wait3A_83 = tpu.memref_squeeze %dma_wait3A_82 : memref<1x128x256xf32, #tpu.memory_space<vmem>> -> memref<128x256xf32, #tpu.memory_space<vmem>>
    tpu.wait_dma2 semaphore(%arg8 : memref<!tpu.dma_semaphore, #tpu.memory_space<semaphore_mem>>) src(%dma_wait3A_83 : memref<128x256xf32, #tpu.memory_space<vmem>>) dst(%dma_wait3A_79 : memref<128x256xf32, #tpu.memory_space<hbm>>)
    %dma_wait3A_84 = arith.constant 1 : i32
    %dma_wait3A_85 = arith.constant 0 : i32
    %dma_wait3A_86 = arith.constant 0 : i32
    %dma_wait3A_87 = tpu.memref_slice %arg6[%dma_wait3A_84, %dma_wait3A_85, %dma_wait3A_86] : memref<2x128x256xf32, #tpu.memory_space<vmem>> -> memref<1x128x256xf32, #tpu.memory_space<vmem>>
    %dma_wait3A_88 = tpu.memref_squeeze %dma_wait3A_87 : memref<1x128x256xf32, #tpu.memory_space<vmem>> -> memref<128x256xf32, #tpu.memory_space<vmem>>
    %dma_wait3A_89 = arith.constant 0 : i32
    %dma_wait3A_90 = tpu.memref_slice %arg4[%add3A_57, %dma_wait3A_89] : memref<8192x256xf32, #tpu.memory_space<hbm>> -> memref<128x256xf32, #tpu.memory_space<hbm>>
    %dma_wait3A_91 = arith.constant 0 : i32
    %dma_wait3A_92 = tpu.memref_slice %arg4[%add3A_57, %dma_wait3A_91] : memref<8192x256xf32, #tpu.memory_space<hbm>> -> memref<128x256xf32, #tpu.memory_space<hbm>>
    %dma_wait3A_93 = arith.constant 0 : i32
    %dma_wait3A_94 = arith.constant 0 : i32
    %dma_wait3A_95 = tpu.memref_slice %arg6[%dma_wait3A_84, %dma_wait3A_93, %dma_wait3A_94] : memref<2x128x256xf32, #tpu.memory_space<vmem>> -> memref<1x128x256xf32, #tpu.memory_space<vmem>>
    %dma_wait3A_96 = tpu.memref_squeeze %dma_wait3A_95 : memref<1x128x256xf32, #tpu.memory_space<vmem>> -> memref<128x256xf32, #tpu.memory_space<vmem>>
    tpu.wait_dma2 semaphore(%arg8 : memref<!tpu.dma_semaphore, #tpu.memory_space<semaphore_mem>>) src(%dma_wait3A_96 : memref<128x256xf32, #tpu.memory_space<vmem>>) dst(%dma_wait3A_92 : memref<128x256xf32, #tpu.memory_space<hbm>>)
    return
  }
}

module attributes {stable_mosaic.version = 14 : i64} {
  func.func @_argmin_body(%arg0: i32, %arg1: memref<1x256x1024xf32, #tpu.memory_space<vmem>>, %arg2: memref<8192x256xf32, #tpu.memory_space<vmem>>, %arg3: memref<1024x1xi32, #tpu.memory_space<vmem>>, %arg4: memref<1x8192xf32, #tpu.memory_space<vmem>>) attributes {dimension_semantics = [#tpu.dimension_semantics<arbitrary>], iteration_bounds = array<i64: 8>, scalar_prefetch = 0 : i64, scratch_operands = 1 : i64, tpu.core_type = #tpu.core_type<tc>, window_params = [{transform_indices = @transform_0, window_bounds = array<i64: 1, 256, 1024>}, {pipeline_mode = #tpu.pipeline_mode<synchronous>, transform_indices = @transform_1, window_bounds = array<i64: 8192, 256>}, {transform_indices = @transform_2, window_bounds = array<i64: 1024, 1>}]} {
    %eq3A = arith.constant 0 : i32
    %eq3A_0 = arith.cmpi eq, %arg0, %eq3A : i32
    %convert_element_type3A = arith.extui %eq3A_0 : i1 to i32
    %cond3A = arith.constant 0 : i32
    %cond3A_1 = arith.cmpi ne, %convert_element_type3A, %cond3A : i32
    scf.if %cond3A_1 {
      %get3A_726 = arith.constant 0 : index
      %get3A_727 = arith.constant 0 : index
      %get3A_728 = vector.load %arg2[%get3A_726, %get3A_727] : memref<8192x256xf32, #tpu.memory_space<vmem>>, vector<8192x256xf32>
      %mul3A_729 = arith.mulf %get3A_728, %get3A_728 : vector<8192x256xf32>
      %reduce_sum3A_730 = arith.constant dense<0.000000e+00> : vector<8192xf32>
      %reduce_sum3A_731 = vector.multi_reduction <add>, %mul3A_729, %reduce_sum3A_730 [1] : vector<8192x256xf32> to vector<8192xf32>
      %broadcast_in_dim3A_732 = vector.shape_cast %reduce_sum3A_731 : vector<8192xf32> to vector<8192x1xf32>
      %transpose3A_733 = tpu.transpose %broadcast_in_dim3A_732, [1, 0] : vector<8192x1xf32> -> vector<1x8192xf32>
      %swap3A_734 = arith.constant 0 : index
      %swap3A_735 = arith.constant 0 : index
      %swap3A_736 = vector.load %arg4[%swap3A_734, %swap3A_735] : memref<1x8192xf32, #tpu.memory_space<vmem>>, vector<1x8192xf32>
      tpu.vector_store %arg4[%swap3A_734, %swap3A_735], %transpose3A_733 {strides = array<i32>} : memref<1x8192xf32, #tpu.memory_space<vmem>>, vector<1x8192xf32>,
    } else {
    }
    %get3A = arith.constant 0 : index
    %get3A_2 = arith.constant 0 : index
    %get3A_3 = arith.constant 0 : index
    %get3A_4 = vector.load %arg1[%get3A, %get3A_2, %get3A_3] : memref<1x256x1024xf32, #tpu.memory_space<vmem>>, vector<1x256x1024xf32>
    %get3A_5 = vector.shape_cast %get3A_4 : vector<1x256x1024xf32> to vector<256x1024xf32>
    %transpose3A = tpu.transpose %get3A_5, [1, 0] : vector<256x1024xf32> -> vector<1024x256xf32>
    %mul3A = arith.mulf %transpose3A, %transpose3A : vector<1024x256xf32>
    %reduce_sum3A = arith.constant dense<0.000000e+00> : vector<1024xf32>
    %reduce_sum3A_6 = vector.multi_reduction <add>, %mul3A, %reduce_sum3A [1] : vector<1024x256xf32> to vector<1024xf32>
    %broadcast_in_dim3A = vector.shape_cast %reduce_sum3A_6 : vector<1024xf32> to vector<1024x1xf32>
    %add3A = arith.addf %transpose3A, %transpose3A : vector<1024x256xf32>
    %get3A_7 = arith.constant 0 : index
    %get3A_8 = arith.constant 0 : index
    %get3A_9 = vector.load %arg2[%get3A_7, %get3A_8] : memref<8192x256xf32, #tpu.memory_space<vmem>>, vector<8192x256xf32>
    %dot_general3A = arith.constant dense<0.000000e+00> : vector<1024x8192xf32>
    %dot_general3A_10 = tpu.matmul %add3A, %get3A_9, %dot_general3A {dimension_numbers = #tpu.dot_dimension_numbers<[1], [1], [0], [0], [0, 0, 1, 0], [], []>, transpose_lhs_hint = false} : vector<1024x256xf32>, vector<8192x256xf32>, vector<1024x8192xf32> -> vector<1024x8192xf32>
    %get3A_11 = arith.constant 0 : index
    %get3A_12 = arith.constant 0 : index
    %get3A_13 = vector.load %arg4[%get3A_11, %get3A_12] : memref<1x8192xf32, #tpu.memory_space<vmem>>, vector<1x8192xf32>
    %slice3A = vector.extract_strided_slice %dot_general3A_10 {offsets = [0, 0], sizes = [1024, 128], strides = [1, 1]} : vector<1024x8192xf32> to vector<1024x128xf32>
    %sub3A = vector.broadcast %broadcast_in_dim3A : vector<1024x1xf32> to vector<1024x128xf32>
    %sub3A_14 = arith.subf %sub3A, %slice3A : vector<1024x128xf32>
    %slice3A_15 = vector.extract_strided_slice %get3A_13 {offsets = [0, 0], sizes = [1, 128], strides = [1, 1]} : vector<1x8192xf32> to vector<1x128xf32>
    %add3A_16 = vector.broadcast %slice3A_15 : vector<1x128xf32> to vector<1024x128xf32>
    %add3A_17 = arith.addf %sub3A_14, %add3A_16 : vector<1024x128xf32>
    %broadcast_in_dim3A_18 = arith.constant 0 : i32
    %broadcast_in_dim3A_19 = vector.broadcast %broadcast_in_dim3A_18 : i32 to vector<1024x128xi32>
    %slice3A_20 = vector.extract_strided_slice %dot_general3A_10 {offsets = [0, 128], sizes = [1024, 128], strides = [1, 1]} : vector<1024x8192xf32> to vector<1024x128xf32>
    %sub3A_21 = vector.broadcast %broadcast_in_dim3A : vector<1024x1xf32> to vector<1024x128xf32>
    %sub3A_22 = arith.subf %sub3A_21, %slice3A_20 : vector<1024x128xf32>
    %slice3A_23 = vector.extract_strided_slice %get3A_13 {offsets = [0, 128], sizes = [1, 128], strides = [1, 1]} : vector<1x8192xf32> to vector<1x128xf32>
    %add3A_24 = vector.broadcast %slice3A_23 : vector<1x128xf32> to vector<1024x128xf32>
    %add3A_25 = arith.addf %sub3A_22, %add3A_24 : vector<1024x128xf32>
    %lt3A = arith.cmpf olt, %add3A_25, %add3A_17 : vector<1024x128xf32>
    %select_n3A = arith.select %lt3A, %add3A_25, %add3A_17 : vector<1024x128xi1>, vector<1024x128xf32>
    %jit3A = arith.constant 1 : i32
    %broadcast_in_dim3A_26 = vector.broadcast %jit3A : i32 to vector<1024x128xi32>
    %select_n3A_27 = arith.select %lt3A, %broadcast_in_dim3A_26, %broadcast_in_dim3A_19 : vector<1024x128xi1>, vector<1024x128xi32>
    %slice3A_28 = vector.extract_strided_slice %dot_general3A_10 {offsets = [0, 256], sizes = [1024, 128], strides = [1, 1]} : vector<1024x8192xf32> to vector<1024x128xf32>
    %sub3A_29 = vector.broadcast %broadcast_in_dim3A : vector<1024x1xf32> to vector<1024x128xf32>
    %sub3A_30 = arith.subf %sub3A_29, %slice3A_28 : vector<1024x128xf32>
    %slice3A_31 = vector.extract_strided_slice %get3A_13 {offsets = [0, 256], sizes = [1, 128], strides = [1, 1]} : vector<1x8192xf32> to vector<1x128xf32>
    %add3A_32 = vector.broadcast %slice3A_31 : vector<1x128xf32> to vector<1024x128xf32>
    %add3A_33 = arith.addf %sub3A_30, %add3A_32 : vector<1024x128xf32>
    %lt3A_34 = arith.cmpf olt, %add3A_33, %select_n3A : vector<1024x128xf32>
    %select_n3A_35 = arith.select %lt3A_34, %add3A_33, %select_n3A : vector<1024x128xi1>, vector<1024x128xf32>
    %jit3A_36 = arith.constant 2 : i32
    %broadcast_in_dim3A_37 = vector.broadcast %jit3A_36 : i32 to vector<1024x128xi32>
    %select_n3A_38 = arith.select %lt3A_34, %broadcast_in_dim3A_37, %select_n3A_27 : vector<1024x128xi1>, vector<1024x128xi32>
    %slice3A_39 = vector.extract_strided_slice %dot_general3A_10 {offsets = [0, 384], sizes = [1024, 128], strides = [1, 1]} : vector<1024x8192xf32> to vector<1024x128xf32>
    %sub3A_40 = vector.broadcast %broadcast_in_dim3A : vector<1024x1xf32> to vector<1024x128xf32>
    %sub3A_41 = arith.subf %sub3A_40, %slice3A_39 : vector<1024x128xf32>
    %slice3A_42 = vector.extract_strided_slice %get3A_13 {offsets = [0, 384], sizes = [1, 128], strides = [1, 1]} : vector<1x8192xf32> to vector<1x128xf32>
    %add3A_43 = vector.broadcast %slice3A_42 : vector<1x128xf32> to vector<1024x128xf32>
    %add3A_44 = arith.addf %sub3A_41, %add3A_43 : vector<1024x128xf32>
    %lt3A_45 = arith.cmpf olt, %add3A_44, %select_n3A_35 : vector<1024x128xf32>
    %select_n3A_46 = arith.select %lt3A_45, %add3A_44, %select_n3A_35 : vector<1024x128xi1>, vector<1024x128xf32>
    %jit3A_47 = arith.constant 3 : i32
    %broadcast_in_dim3A_48 = vector.broadcast %jit3A_47 : i32 to vector<1024x128xi32>
    %select_n3A_49 = arith.select %lt3A_45, %broadcast_in_dim3A_48, %select_n3A_38 : vector<1024x128xi1>, vector<1024x128xi32>
    %slice3A_50 = vector.extract_strided_slice %dot_general3A_10 {offsets = [0, 512], sizes = [1024, 128], strides = [1, 1]} : vector<1024x8192xf32> to vector<1024x128xf32>
    %sub3A_51 = vector.broadcast %broadcast_in_dim3A : vector<1024x1xf32> to vector<1024x128xf32>
    %sub3A_52 = arith.subf %sub3A_51, %slice3A_50 : vector<1024x128xf32>
    %slice3A_53 = vector.extract_strided_slice %get3A_13 {offsets = [0, 512], sizes = [1, 128], strides = [1, 1]} : vector<1x8192xf32> to vector<1x128xf32>
    %add3A_54 = vector.broadcast %slice3A_53 : vector<1x128xf32> to vector<1024x128xf32>
    %add3A_55 = arith.addf %sub3A_52, %add3A_54 : vector<1024x128xf32>
    %lt3A_56 = arith.cmpf olt, %add3A_55, %select_n3A_46 : vector<1024x128xf32>
    %select_n3A_57 = arith.select %lt3A_56, %add3A_55, %select_n3A_46 : vector<1024x128xi1>, vector<1024x128xf32>
    %jit3A_58 = arith.constant 4 : i32
    %broadcast_in_dim3A_59 = vector.broadcast %jit3A_58 : i32 to vector<1024x128xi32>
    %select_n3A_60 = arith.select %lt3A_56, %broadcast_in_dim3A_59, %select_n3A_49 : vector<1024x128xi1>, vector<1024x128xi32>
    %slice3A_61 = vector.extract_strided_slice %dot_general3A_10 {offsets = [0, 640], sizes = [1024, 128], strides = [1, 1]} : vector<1024x8192xf32> to vector<1024x128xf32>
    %sub3A_62 = vector.broadcast %broadcast_in_dim3A : vector<1024x1xf32> to vector<1024x128xf32>
    %sub3A_63 = arith.subf %sub3A_62, %slice3A_61 : vector<1024x128xf32>
    %slice3A_64 = vector.extract_strided_slice %get3A_13 {offsets = [0, 640], sizes = [1, 128], strides = [1, 1]} : vector<1x8192xf32> to vector<1x128xf32>
    %add3A_65 = vector.broadcast %slice3A_64 : vector<1x128xf32> to vector<1024x128xf32>
    %add3A_66 = arith.addf %sub3A_63, %add3A_65 : vector<1024x128xf32>
    %lt3A_67 = arith.cmpf olt, %add3A_66, %select_n3A_57 : vector<1024x128xf32>
    %select_n3A_68 = arith.select %lt3A_67, %add3A_66, %select_n3A_57 : vector<1024x128xi1>, vector<1024x128xf32>
    %jit3A_69 = arith.constant 5 : i32
    %broadcast_in_dim3A_70 = vector.broadcast %jit3A_69 : i32 to vector<1024x128xi32>
    %select_n3A_71 = arith.select %lt3A_67, %broadcast_in_dim3A_70, %select_n3A_60 : vector<1024x128xi1>, vector<1024x128xi32>
    %slice3A_72 = vector.extract_strided_slice %dot_general3A_10 {offsets = [0, 768], sizes = [1024, 128], strides = [1, 1]} : vector<1024x8192xf32> to vector<1024x128xf32>
    %sub3A_73 = vector.broadcast %broadcast_in_dim3A : vector<1024x1xf32> to vector<1024x128xf32>
    %sub3A_74 = arith.subf %sub3A_73, %slice3A_72 : vector<1024x128xf32>
    %slice3A_75 = vector.extract_strided_slice %get3A_13 {offsets = [0, 768], sizes = [1, 128], strides = [1, 1]} : vector<1x8192xf32> to vector<1x128xf32>
    %add3A_76 = vector.broadcast %slice3A_75 : vector<1x128xf32> to vector<1024x128xf32>
    %add3A_77 = arith.addf %sub3A_74, %add3A_76 : vector<1024x128xf32>
    %lt3A_78 = arith.cmpf olt, %add3A_77, %select_n3A_68 : vector<1024x128xf32>
    %select_n3A_79 = arith.select %lt3A_78, %add3A_77, %select_n3A_68 : vector<1024x128xi1>, vector<1024x128xf32>
    %jit3A_80 = arith.constant 6 : i32
    %broadcast_in_dim3A_81 = vector.broadcast %jit3A_80 : i32 to vector<1024x128xi32>
    %select_n3A_82 = arith.select %lt3A_78, %broadcast_in_dim3A_81, %select_n3A_71 : vector<1024x128xi1>, vector<1024x128xi32>
    %slice3A_83 = vector.extract_strided_slice %dot_general3A_10 {offsets = [0, 896], sizes = [1024, 128], strides = [1, 1]} : vector<1024x8192xf32> to vector<1024x128xf32>
    %sub3A_84 = vector.broadcast %broadcast_in_dim3A : vector<1024x1xf32> to vector<1024x128xf32>
    %sub3A_85 = arith.subf %sub3A_84, %slice3A_83 : vector<1024x128xf32>
    %slice3A_86 = vector.extract_strided_slice %get3A_13 {offsets = [0, 896], sizes = [1, 128], strides = [1, 1]} : vector<1x8192xf32> to vector<1x128xf32>
    %add3A_87 = vector.broadcast %slice3A_86 : vector<1x128xf32> to vector<1024x128xf32>
    %add3A_88 = arith.addf %sub3A_85, %add3A_87 : vector<1024x128xf32>
    %lt3A_89 = arith.cmpf olt, %add3A_88, %select_n3A_79 : vector<1024x128xf32>
    %select_n3A_90 = arith.select %lt3A_89, %add3A_88, %select_n3A_79 : vector<1024x128xi1>, vector<1024x128xf32>
    %jit3A_91 = arith.constant 7 : i32
    %broadcast_in_dim3A_92 = vector.broadcast %jit3A_91 : i32 to vector<1024x128xi32>
    %select_n3A_93 = arith.select %lt3A_89, %broadcast_in_dim3A_92, %select_n3A_82 : vector<1024x128xi1>, vector<1024x128xi32>
    %slice3A_94 = vector.extract_strided_slice %dot_general3A_10 {offsets = [0, 1024], sizes = [1024, 128], strides = [1, 1]} : vector<1024x8192xf32> to vector<1024x128xf32>
    %sub3A_95 = vector.broadcast %broadcast_in_dim3A : vector<1024x1xf32> to vector<1024x128xf32>
    %sub3A_96 = arith.subf %sub3A_95, %slice3A_94 : vector<1024x128xf32>
    %slice3A_97 = vector.extract_strided_slice %get3A_13 {offsets = [0, 1024], sizes = [1, 128], strides = [1, 1]} : vector<1x8192xf32> to vector<1x128xf32>
    %add3A_98 = vector.broadcast %slice3A_97 : vector<1x128xf32> to vector<1024x128xf32>
    %add3A_99 = arith.addf %sub3A_96, %add3A_98 : vector<1024x128xf32>
    %lt3A_100 = arith.cmpf olt, %add3A_99, %select_n3A_90 : vector<1024x128xf32>
    %select_n3A_101 = arith.select %lt3A_100, %add3A_99, %select_n3A_90 : vector<1024x128xi1>, vector<1024x128xf32>
    %jit3A_102 = arith.constant 8 : i32
    %broadcast_in_dim3A_103 = vector.broadcast %jit3A_102 : i32 to vector<1024x128xi32>
    %select_n3A_104 = arith.select %lt3A_100, %broadcast_in_dim3A_103, %select_n3A_93 : vector<1024x128xi1>, vector<1024x128xi32>
    %slice3A_105 = vector.extract_strided_slice %dot_general3A_10 {offsets = [0, 1152], sizes = [1024, 128], strides = [1, 1]} : vector<1024x8192xf32> to vector<1024x128xf32>
    %sub3A_106 = vector.broadcast %broadcast_in_dim3A : vector<1024x1xf32> to vector<1024x128xf32>
    %sub3A_107 = arith.subf %sub3A_106, %slice3A_105 : vector<1024x128xf32>
    %slice3A_108 = vector.extract_strided_slice %get3A_13 {offsets = [0, 1152], sizes = [1, 128], strides = [1, 1]} : vector<1x8192xf32> to vector<1x128xf32>
    %add3A_109 = vector.broadcast %slice3A_108 : vector<1x128xf32> to vector<1024x128xf32>
    %add3A_110 = arith.addf %sub3A_107, %add3A_109 : vector<1024x128xf32>
    %lt3A_111 = arith.cmpf olt, %add3A_110, %select_n3A_101 : vector<1024x128xf32>
    %select_n3A_112 = arith.select %lt3A_111, %add3A_110, %select_n3A_101 : vector<1024x128xi1>, vector<1024x128xf32>
    %jit3A_113 = arith.constant 9 : i32
    %broadcast_in_dim3A_114 = vector.broadcast %jit3A_113 : i32 to vector<1024x128xi32>
    %select_n3A_115 = arith.select %lt3A_111, %broadcast_in_dim3A_114, %select_n3A_104 : vector<1024x128xi1>, vector<1024x128xi32>
    %slice3A_116 = vector.extract_strided_slice %dot_general3A_10 {offsets = [0, 1280], sizes = [1024, 128], strides = [1, 1]} : vector<1024x8192xf32> to vector<1024x128xf32>
    %sub3A_117 = vector.broadcast %broadcast_in_dim3A : vector<1024x1xf32> to vector<1024x128xf32>
    %sub3A_118 = arith.subf %sub3A_117, %slice3A_116 : vector<1024x128xf32>
    %slice3A_119 = vector.extract_strided_slice %get3A_13 {offsets = [0, 1280], sizes = [1, 128], strides = [1, 1]} : vector<1x8192xf32> to vector<1x128xf32>
    %add3A_120 = vector.broadcast %slice3A_119 : vector<1x128xf32> to vector<1024x128xf32>
    %add3A_121 = arith.addf %sub3A_118, %add3A_120 : vector<1024x128xf32>
    %lt3A_122 = arith.cmpf olt, %add3A_121, %select_n3A_112 : vector<1024x128xf32>
    %select_n3A_123 = arith.select %lt3A_122, %add3A_121, %select_n3A_112 : vector<1024x128xi1>, vector<1024x128xf32>
    %jit3A_124 = arith.constant 10 : i32
    %broadcast_in_dim3A_125 = vector.broadcast %jit3A_124 : i32 to vector<1024x128xi32>
    %select_n3A_126 = arith.select %lt3A_122, %broadcast_in_dim3A_125, %select_n3A_115 : vector<1024x128xi1>, vector<1024x128xi32>
    %slice3A_127 = vector.extract_strided_slice %dot_general3A_10 {offsets = [0, 1408], sizes = [1024, 128], strides = [1, 1]} : vector<1024x8192xf32> to vector<1024x128xf32>
    %sub3A_128 = vector.broadcast %broadcast_in_dim3A : vector<1024x1xf32> to vector<1024x128xf32>
    %sub3A_129 = arith.subf %sub3A_128, %slice3A_127 : vector<1024x128xf32>
    %slice3A_130 = vector.extract_strided_slice %get3A_13 {offsets = [0, 1408], sizes = [1, 128], strides = [1, 1]} : vector<1x8192xf32> to vector<1x128xf32>
    %add3A_131 = vector.broadcast %slice3A_130 : vector<1x128xf32> to vector<1024x128xf32>
    %add3A_132 = arith.addf %sub3A_129, %add3A_131 : vector<1024x128xf32>
    %lt3A_133 = arith.cmpf olt, %add3A_132, %select_n3A_123 : vector<1024x128xf32>
    %select_n3A_134 = arith.select %lt3A_133, %add3A_132, %select_n3A_123 : vector<1024x128xi1>, vector<1024x128xf32>
    %jit3A_135 = arith.constant 11 : i32
    %broadcast_in_dim3A_136 = vector.broadcast %jit3A_135 : i32 to vector<1024x128xi32>
    %select_n3A_137 = arith.select %lt3A_133, %broadcast_in_dim3A_136, %select_n3A_126 : vector<1024x128xi1>, vector<1024x128xi32>
    %slice3A_138 = vector.extract_strided_slice %dot_general3A_10 {offsets = [0, 1536], sizes = [1024, 128], strides = [1, 1]} : vector<1024x8192xf32> to vector<1024x128xf32>
    %sub3A_139 = vector.broadcast %broadcast_in_dim3A : vector<1024x1xf32> to vector<1024x128xf32>
    %sub3A_140 = arith.subf %sub3A_139, %slice3A_138 : vector<1024x128xf32>
    %slice3A_141 = vector.extract_strided_slice %get3A_13 {offsets = [0, 1536], sizes = [1, 128], strides = [1, 1]} : vector<1x8192xf32> to vector<1x128xf32>
    %add3A_142 = vector.broadcast %slice3A_141 : vector<1x128xf32> to vector<1024x128xf32>
    %add3A_143 = arith.addf %sub3A_140, %add3A_142 : vector<1024x128xf32>
    %lt3A_144 = arith.cmpf olt, %add3A_143, %select_n3A_134 : vector<1024x128xf32>
    %select_n3A_145 = arith.select %lt3A_144, %add3A_143, %select_n3A_134 : vector<1024x128xi1>, vector<1024x128xf32>
    %jit3A_146 = arith.constant 12 : i32
    %broadcast_in_dim3A_147 = vector.broadcast %jit3A_146 : i32 to vector<1024x128xi32>
    %select_n3A_148 = arith.select %lt3A_144, %broadcast_in_dim3A_147, %select_n3A_137 : vector<1024x128xi1>, vector<1024x128xi32>
    %slice3A_149 = vector.extract_strided_slice %dot_general3A_10 {offsets = [0, 1664], sizes = [1024, 128], strides = [1, 1]} : vector<1024x8192xf32> to vector<1024x128xf32>
    %sub3A_150 = vector.broadcast %broadcast_in_dim3A : vector<1024x1xf32> to vector<1024x128xf32>
    %sub3A_151 = arith.subf %sub3A_150, %slice3A_149 : vector<1024x128xf32>
    %slice3A_152 = vector.extract_strided_slice %get3A_13 {offsets = [0, 1664], sizes = [1, 128], strides = [1, 1]} : vector<1x8192xf32> to vector<1x128xf32>
    %add3A_153 = vector.broadcast %slice3A_152 : vector<1x128xf32> to vector<1024x128xf32>
    %add3A_154 = arith.addf %sub3A_151, %add3A_153 : vector<1024x128xf32>
    %lt3A_155 = arith.cmpf olt, %add3A_154, %select_n3A_145 : vector<1024x128xf32>
    %select_n3A_156 = arith.select %lt3A_155, %add3A_154, %select_n3A_145 : vector<1024x128xi1>, vector<1024x128xf32>
    %jit3A_157 = arith.constant 13 : i32
    %broadcast_in_dim3A_158 = vector.broadcast %jit3A_157 : i32 to vector<1024x128xi32>
    %select_n3A_159 = arith.select %lt3A_155, %broadcast_in_dim3A_158, %select_n3A_148 : vector<1024x128xi1>, vector<1024x128xi32>
    %slice3A_160 = vector.extract_strided_slice %dot_general3A_10 {offsets = [0, 1792], sizes = [1024, 128], strides = [1, 1]} : vector<1024x8192xf32> to vector<1024x128xf32>
    %sub3A_161 = vector.broadcast %broadcast_in_dim3A : vector<1024x1xf32> to vector<1024x128xf32>
    %sub3A_162 = arith.subf %sub3A_161, %slice3A_160 : vector<1024x128xf32>
    %slice3A_163 = vector.extract_strided_slice %get3A_13 {offsets = [0, 1792], sizes = [1, 128], strides = [1, 1]} : vector<1x8192xf32> to vector<1x128xf32>
    %add3A_164 = vector.broadcast %slice3A_163 : vector<1x128xf32> to vector<1024x128xf32>
    %add3A_165 = arith.addf %sub3A_162, %add3A_164 : vector<1024x128xf32>
    %lt3A_166 = arith.cmpf olt, %add3A_165, %select_n3A_156 : vector<1024x128xf32>
    %select_n3A_167 = arith.select %lt3A_166, %add3A_165, %select_n3A_156 : vector<1024x128xi1>, vector<1024x128xf32>
    %jit3A_168 = arith.constant 14 : i32
    %broadcast_in_dim3A_169 = vector.broadcast %jit3A_168 : i32 to vector<1024x128xi32>
    %select_n3A_170 = arith.select %lt3A_166, %broadcast_in_dim3A_169, %select_n3A_159 : vector<1024x128xi1>, vector<1024x128xi32>
    %slice3A_171 = vector.extract_strided_slice %dot_general3A_10 {offsets = [0, 1920], sizes = [1024, 128], strides = [1, 1]} : vector<1024x8192xf32> to vector<1024x128xf32>
    %sub3A_172 = vector.broadcast %broadcast_in_dim3A : vector<1024x1xf32> to vector<1024x128xf32>
    %sub3A_173 = arith.subf %sub3A_172, %slice3A_171 : vector<1024x128xf32>
    %slice3A_174 = vector.extract_strided_slice %get3A_13 {offsets = [0, 1920], sizes = [1, 128], strides = [1, 1]} : vector<1x8192xf32> to vector<1x128xf32>
    %add3A_175 = vector.broadcast %slice3A_174 : vector<1x128xf32> to vector<1024x128xf32>
    %add3A_176 = arith.addf %sub3A_173, %add3A_175 : vector<1024x128xf32>
    %lt3A_177 = arith.cmpf olt, %add3A_176, %select_n3A_167 : vector<1024x128xf32>
    %select_n3A_178 = arith.select %lt3A_177, %add3A_176, %select_n3A_167 : vector<1024x128xi1>, vector<1024x128xf32>
    %jit3A_179 = arith.constant 15 : i32
    %broadcast_in_dim3A_180 = vector.broadcast %jit3A_179 : i32 to vector<1024x128xi32>
    %select_n3A_181 = arith.select %lt3A_177, %broadcast_in_dim3A_180, %select_n3A_170 : vector<1024x128xi1>, vector<1024x128xi32>
    %slice3A_182 = vector.extract_strided_slice %dot_general3A_10 {offsets = [0, 2048], sizes = [1024, 128], strides = [1, 1]} : vector<1024x8192xf32> to vector<1024x128xf32>
    %sub3A_183 = vector.broadcast %broadcast_in_dim3A : vector<1024x1xf32> to vector<1024x128xf32>
    %sub3A_184 = arith.subf %sub3A_183, %slice3A_182 : vector<1024x128xf32>
    %slice3A_185 = vector.extract_strided_slice %get3A_13 {offsets = [0, 2048], sizes = [1, 128], strides = [1, 1]} : vector<1x8192xf32> to vector<1x128xf32>
    %add3A_186 = vector.broadcast %slice3A_185 : vector<1x128xf32> to vector<1024x128xf32>
    %add3A_187 = arith.addf %sub3A_184, %add3A_186 : vector<1024x128xf32>
    %lt3A_188 = arith.cmpf olt, %add3A_187, %select_n3A_178 : vector<1024x128xf32>
    %select_n3A_189 = arith.select %lt3A_188, %add3A_187, %select_n3A_178 : vector<1024x128xi1>, vector<1024x128xf32>
    %jit3A_190 = arith.constant 16 : i32
    %broadcast_in_dim3A_191 = vector.broadcast %jit3A_190 : i32 to vector<1024x128xi32>
    %select_n3A_192 = arith.select %lt3A_188, %broadcast_in_dim3A_191, %select_n3A_181 : vector<1024x128xi1>, vector<1024x128xi32>
    %slice3A_193 = vector.extract_strided_slice %dot_general3A_10 {offsets = [0, 2176], sizes = [1024, 128], strides = [1, 1]} : vector<1024x8192xf32> to vector<1024x128xf32>
    %sub3A_194 = vector.broadcast %broadcast_in_dim3A : vector<1024x1xf32> to vector<1024x128xf32>
    %sub3A_195 = arith.subf %sub3A_194, %slice3A_193 : vector<1024x128xf32>
    %slice3A_196 = vector.extract_strided_slice %get3A_13 {offsets = [0, 2176], sizes = [1, 128], strides = [1, 1]} : vector<1x8192xf32> to vector<1x128xf32>
    %add3A_197 = vector.broadcast %slice3A_196 : vector<1x128xf32> to vector<1024x128xf32>
    %add3A_198 = arith.addf %sub3A_195, %add3A_197 : vector<1024x128xf32>
    %lt3A_199 = arith.cmpf olt, %add3A_198, %select_n3A_189 : vector<1024x128xf32>
    %select_n3A_200 = arith.select %lt3A_199, %add3A_198, %select_n3A_189 : vector<1024x128xi1>, vector<1024x128xf32>
    %jit3A_201 = arith.constant 17 : i32
    %broadcast_in_dim3A_202 = vector.broadcast %jit3A_201 : i32 to vector<1024x128xi32>
    %select_n3A_203 = arith.select %lt3A_199, %broadcast_in_dim3A_202, %select_n3A_192 : vector<1024x128xi1>, vector<1024x128xi32>
    %slice3A_204 = vector.extract_strided_slice %dot_general3A_10 {offsets = [0, 2304], sizes = [1024, 128], strides = [1, 1]} : vector<1024x8192xf32> to vector<1024x128xf32>
    %sub3A_205 = vector.broadcast %broadcast_in_dim3A : vector<1024x1xf32> to vector<1024x128xf32>
    %sub3A_206 = arith.subf %sub3A_205, %slice3A_204 : vector<1024x128xf32>
    %slice3A_207 = vector.extract_strided_slice %get3A_13 {offsets = [0, 2304], sizes = [1, 128], strides = [1, 1]} : vector<1x8192xf32> to vector<1x128xf32>
    %add3A_208 = vector.broadcast %slice3A_207 : vector<1x128xf32> to vector<1024x128xf32>
    %add3A_209 = arith.addf %sub3A_206, %add3A_208 : vector<1024x128xf32>
    %lt3A_210 = arith.cmpf olt, %add3A_209, %select_n3A_200 : vector<1024x128xf32>
    %select_n3A_211 = arith.select %lt3A_210, %add3A_209, %select_n3A_200 : vector<1024x128xi1>, vector<1024x128xf32>
    %jit3A_212 = arith.constant 18 : i32
    %broadcast_in_dim3A_213 = vector.broadcast %jit3A_212 : i32 to vector<1024x128xi32>
    %select_n3A_214 = arith.select %lt3A_210, %broadcast_in_dim3A_213, %select_n3A_203 : vector<1024x128xi1>, vector<1024x128xi32>
    %slice3A_215 = vector.extract_strided_slice %dot_general3A_10 {offsets = [0, 2432], sizes = [1024, 128], strides = [1, 1]} : vector<1024x8192xf32> to vector<1024x128xf32>
    %sub3A_216 = vector.broadcast %broadcast_in_dim3A : vector<1024x1xf32> to vector<1024x128xf32>
    %sub3A_217 = arith.subf %sub3A_216, %slice3A_215 : vector<1024x128xf32>
    %slice3A_218 = vector.extract_strided_slice %get3A_13 {offsets = [0, 2432], sizes = [1, 128], strides = [1, 1]} : vector<1x8192xf32> to vector<1x128xf32>
    %add3A_219 = vector.broadcast %slice3A_218 : vector<1x128xf32> to vector<1024x128xf32>
    %add3A_220 = arith.addf %sub3A_217, %add3A_219 : vector<1024x128xf32>
    %lt3A_221 = arith.cmpf olt, %add3A_220, %select_n3A_211 : vector<1024x128xf32>
    %select_n3A_222 = arith.select %lt3A_221, %add3A_220, %select_n3A_211 : vector<1024x128xi1>, vector<1024x128xf32>
    %jit3A_223 = arith.constant 19 : i32
    %broadcast_in_dim3A_224 = vector.broadcast %jit3A_223 : i32 to vector<1024x128xi32>
    %select_n3A_225 = arith.select %lt3A_221, %broadcast_in_dim3A_224, %select_n3A_214 : vector<1024x128xi1>, vector<1024x128xi32>
    %slice3A_226 = vector.extract_strided_slice %dot_general3A_10 {offsets = [0, 2560], sizes = [1024, 128], strides = [1, 1]} : vector<1024x8192xf32> to vector<1024x128xf32>
    %sub3A_227 = vector.broadcast %broadcast_in_dim3A : vector<1024x1xf32> to vector<1024x128xf32>
    %sub3A_228 = arith.subf %sub3A_227, %slice3A_226 : vector<1024x128xf32>
    %slice3A_229 = vector.extract_strided_slice %get3A_13 {offsets = [0, 2560], sizes = [1, 128], strides = [1, 1]} : vector<1x8192xf32> to vector<1x128xf32>
    %add3A_230 = vector.broadcast %slice3A_229 : vector<1x128xf32> to vector<1024x128xf32>
    %add3A_231 = arith.addf %sub3A_228, %add3A_230 : vector<1024x128xf32>
    %lt3A_232 = arith.cmpf olt, %add3A_231, %select_n3A_222 : vector<1024x128xf32>
    %select_n3A_233 = arith.select %lt3A_232, %add3A_231, %select_n3A_222 : vector<1024x128xi1>, vector<1024x128xf32>
    %jit3A_234 = arith.constant 20 : i32
    %broadcast_in_dim3A_235 = vector.broadcast %jit3A_234 : i32 to vector<1024x128xi32>
    %select_n3A_236 = arith.select %lt3A_232, %broadcast_in_dim3A_235, %select_n3A_225 : vector<1024x128xi1>, vector<1024x128xi32>
    %slice3A_237 = vector.extract_strided_slice %dot_general3A_10 {offsets = [0, 2688], sizes = [1024, 128], strides = [1, 1]} : vector<1024x8192xf32> to vector<1024x128xf32>
    %sub3A_238 = vector.broadcast %broadcast_in_dim3A : vector<1024x1xf32> to vector<1024x128xf32>
    %sub3A_239 = arith.subf %sub3A_238, %slice3A_237 : vector<1024x128xf32>
    %slice3A_240 = vector.extract_strided_slice %get3A_13 {offsets = [0, 2688], sizes = [1, 128], strides = [1, 1]} : vector<1x8192xf32> to vector<1x128xf32>
    %add3A_241 = vector.broadcast %slice3A_240 : vector<1x128xf32> to vector<1024x128xf32>
    %add3A_242 = arith.addf %sub3A_239, %add3A_241 : vector<1024x128xf32>
    %lt3A_243 = arith.cmpf olt, %add3A_242, %select_n3A_233 : vector<1024x128xf32>
    %select_n3A_244 = arith.select %lt3A_243, %add3A_242, %select_n3A_233 : vector<1024x128xi1>, vector<1024x128xf32>
    %jit3A_245 = arith.constant 21 : i32
    %broadcast_in_dim3A_246 = vector.broadcast %jit3A_245 : i32 to vector<1024x128xi32>
    %select_n3A_247 = arith.select %lt3A_243, %broadcast_in_dim3A_246, %select_n3A_236 : vector<1024x128xi1>, vector<1024x128xi32>
    %slice3A_248 = vector.extract_strided_slice %dot_general3A_10 {offsets = [0, 2816], sizes = [1024, 128], strides = [1, 1]} : vector<1024x8192xf32> to vector<1024x128xf32>
    %sub3A_249 = vector.broadcast %broadcast_in_dim3A : vector<1024x1xf32> to vector<1024x128xf32>
    %sub3A_250 = arith.subf %sub3A_249, %slice3A_248 : vector<1024x128xf32>
    %slice3A_251 = vector.extract_strided_slice %get3A_13 {offsets = [0, 2816], sizes = [1, 128], strides = [1, 1]} : vector<1x8192xf32> to vector<1x128xf32>
    %add3A_252 = vector.broadcast %slice3A_251 : vector<1x128xf32> to vector<1024x128xf32>
    %add3A_253 = arith.addf %sub3A_250, %add3A_252 : vector<1024x128xf32>
    %lt3A_254 = arith.cmpf olt, %add3A_253, %select_n3A_244 : vector<1024x128xf32>
    %select_n3A_255 = arith.select %lt3A_254, %add3A_253, %select_n3A_244 : vector<1024x128xi1>, vector<1024x128xf32>
    %jit3A_256 = arith.constant 22 : i32
    %broadcast_in_dim3A_257 = vector.broadcast %jit3A_256 : i32 to vector<1024x128xi32>
    %select_n3A_258 = arith.select %lt3A_254, %broadcast_in_dim3A_257, %select_n3A_247 : vector<1024x128xi1>, vector<1024x128xi32>
    %slice3A_259 = vector.extract_strided_slice %dot_general3A_10 {offsets = [0, 2944], sizes = [1024, 128], strides = [1, 1]} : vector<1024x8192xf32> to vector<1024x128xf32>
    %sub3A_260 = vector.broadcast %broadcast_in_dim3A : vector<1024x1xf32> to vector<1024x128xf32>
    %sub3A_261 = arith.subf %sub3A_260, %slice3A_259 : vector<1024x128xf32>
    %slice3A_262 = vector.extract_strided_slice %get3A_13 {offsets = [0, 2944], sizes = [1, 128], strides = [1, 1]} : vector<1x8192xf32> to vector<1x128xf32>
    %add3A_263 = vector.broadcast %slice3A_262 : vector<1x128xf32> to vector<1024x128xf32>
    %add3A_264 = arith.addf %sub3A_261, %add3A_263 : vector<1024x128xf32>
    %lt3A_265 = arith.cmpf olt, %add3A_264, %select_n3A_255 : vector<1024x128xf32>
    %select_n3A_266 = arith.select %lt3A_265, %add3A_264, %select_n3A_255 : vector<1024x128xi1>, vector<1024x128xf32>
    %jit3A_267 = arith.constant 23 : i32
    %broadcast_in_dim3A_268 = vector.broadcast %jit3A_267 : i32 to vector<1024x128xi32>
    %select_n3A_269 = arith.select %lt3A_265, %broadcast_in_dim3A_268, %select_n3A_258 : vector<1024x128xi1>, vector<1024x128xi32>
    %slice3A_270 = vector.extract_strided_slice %dot_general3A_10 {offsets = [0, 3072], sizes = [1024, 128], strides = [1, 1]} : vector<1024x8192xf32> to vector<1024x128xf32>
    %sub3A_271 = vector.broadcast %broadcast_in_dim3A : vector<1024x1xf32> to vector<1024x128xf32>
    %sub3A_272 = arith.subf %sub3A_271, %slice3A_270 : vector<1024x128xf32>
    %slice3A_273 = vector.extract_strided_slice %get3A_13 {offsets = [0, 3072], sizes = [1, 128], strides = [1, 1]} : vector<1x8192xf32> to vector<1x128xf32>
    %add3A_274 = vector.broadcast %slice3A_273 : vector<1x128xf32> to vector<1024x128xf32>
    %add3A_275 = arith.addf %sub3A_272, %add3A_274 : vector<1024x128xf32>
    %lt3A_276 = arith.cmpf olt, %add3A_275, %select_n3A_266 : vector<1024x128xf32>
    %select_n3A_277 = arith.select %lt3A_276, %add3A_275, %select_n3A_266 : vector<1024x128xi1>, vector<1024x128xf32>
    %jit3A_278 = arith.constant 24 : i32
    %broadcast_in_dim3A_279 = vector.broadcast %jit3A_278 : i32 to vector<1024x128xi32>
    %select_n3A_280 = arith.select %lt3A_276, %broadcast_in_dim3A_279, %select_n3A_269 : vector<1024x128xi1>, vector<1024x128xi32>
    %slice3A_281 = vector.extract_strided_slice %dot_general3A_10 {offsets = [0, 3200], sizes = [1024, 128], strides = [1, 1]} : vector<1024x8192xf32> to vector<1024x128xf32>
    %sub3A_282 = vector.broadcast %broadcast_in_dim3A : vector<1024x1xf32> to vector<1024x128xf32>
    %sub3A_283 = arith.subf %sub3A_282, %slice3A_281 : vector<1024x128xf32>
    %slice3A_284 = vector.extract_strided_slice %get3A_13 {offsets = [0, 3200], sizes = [1, 128], strides = [1, 1]} : vector<1x8192xf32> to vector<1x128xf32>
    %add3A_285 = vector.broadcast %slice3A_284 : vector<1x128xf32> to vector<1024x128xf32>
    %add3A_286 = arith.addf %sub3A_283, %add3A_285 : vector<1024x128xf32>
    %lt3A_287 = arith.cmpf olt, %add3A_286, %select_n3A_277 : vector<1024x128xf32>
    %select_n3A_288 = arith.select %lt3A_287, %add3A_286, %select_n3A_277 : vector<1024x128xi1>, vector<1024x128xf32>
    %jit3A_289 = arith.constant 25 : i32
    %broadcast_in_dim3A_290 = vector.broadcast %jit3A_289 : i32 to vector<1024x128xi32>
    %select_n3A_291 = arith.select %lt3A_287, %broadcast_in_dim3A_290, %select_n3A_280 : vector<1024x128xi1>, vector<1024x128xi32>
    %slice3A_292 = vector.extract_strided_slice %dot_general3A_10 {offsets = [0, 3328], sizes = [1024, 128], strides = [1, 1]} : vector<1024x8192xf32> to vector<1024x128xf32>
    %sub3A_293 = vector.broadcast %broadcast_in_dim3A : vector<1024x1xf32> to vector<1024x128xf32>
    %sub3A_294 = arith.subf %sub3A_293, %slice3A_292 : vector<1024x128xf32>
    %slice3A_295 = vector.extract_strided_slice %get3A_13 {offsets = [0, 3328], sizes = [1, 128], strides = [1, 1]} : vector<1x8192xf32> to vector<1x128xf32>
    %add3A_296 = vector.broadcast %slice3A_295 : vector<1x128xf32> to vector<1024x128xf32>
    %add3A_297 = arith.addf %sub3A_294, %add3A_296 : vector<1024x128xf32>
    %lt3A_298 = arith.cmpf olt, %add3A_297, %select_n3A_288 : vector<1024x128xf32>
    %select_n3A_299 = arith.select %lt3A_298, %add3A_297, %select_n3A_288 : vector<1024x128xi1>, vector<1024x128xf32>
    %jit3A_300 = arith.constant 26 : i32
    %broadcast_in_dim3A_301 = vector.broadcast %jit3A_300 : i32 to vector<1024x128xi32>
    %select_n3A_302 = arith.select %lt3A_298, %broadcast_in_dim3A_301, %select_n3A_291 : vector<1024x128xi1>, vector<1024x128xi32>
    %slice3A_303 = vector.extract_strided_slice %dot_general3A_10 {offsets = [0, 3456], sizes = [1024, 128], strides = [1, 1]} : vector<1024x8192xf32> to vector<1024x128xf32>
    %sub3A_304 = vector.broadcast %broadcast_in_dim3A : vector<1024x1xf32> to vector<1024x128xf32>
    %sub3A_305 = arith.subf %sub3A_304, %slice3A_303 : vector<1024x128xf32>
    %slice3A_306 = vector.extract_strided_slice %get3A_13 {offsets = [0, 3456], sizes = [1, 128], strides = [1, 1]} : vector<1x8192xf32> to vector<1x128xf32>
    %add3A_307 = vector.broadcast %slice3A_306 : vector<1x128xf32> to vector<1024x128xf32>
    %add3A_308 = arith.addf %sub3A_305, %add3A_307 : vector<1024x128xf32>
    %lt3A_309 = arith.cmpf olt, %add3A_308, %select_n3A_299 : vector<1024x128xf32>
    %select_n3A_310 = arith.select %lt3A_309, %add3A_308, %select_n3A_299 : vector<1024x128xi1>, vector<1024x128xf32>
    %jit3A_311 = arith.constant 27 : i32
    %broadcast_in_dim3A_312 = vector.broadcast %jit3A_311 : i32 to vector<1024x128xi32>
    %select_n3A_313 = arith.select %lt3A_309, %broadcast_in_dim3A_312, %select_n3A_302 : vector<1024x128xi1>, vector<1024x128xi32>
    %slice3A_314 = vector.extract_strided_slice %dot_general3A_10 {offsets = [0, 3584], sizes = [1024, 128], strides = [1, 1]} : vector<1024x8192xf32> to vector<1024x128xf32>
    %sub3A_315 = vector.broadcast %broadcast_in_dim3A : vector<1024x1xf32> to vector<1024x128xf32>
    %sub3A_316 = arith.subf %sub3A_315, %slice3A_314 : vector<1024x128xf32>
    %slice3A_317 = vector.extract_strided_slice %get3A_13 {offsets = [0, 3584], sizes = [1, 128], strides = [1, 1]} : vector<1x8192xf32> to vector<1x128xf32>
    %add3A_318 = vector.broadcast %slice3A_317 : vector<1x128xf32> to vector<1024x128xf32>
    %add3A_319 = arith.addf %sub3A_316, %add3A_318 : vector<1024x128xf32>
    %lt3A_320 = arith.cmpf olt, %add3A_319, %select_n3A_310 : vector<1024x128xf32>
    %select_n3A_321 = arith.select %lt3A_320, %add3A_319, %select_n3A_310 : vector<1024x128xi1>, vector<1024x128xf32>
    %jit3A_322 = arith.constant 28 : i32
    %broadcast_in_dim3A_323 = vector.broadcast %jit3A_322 : i32 to vector<1024x128xi32>
    %select_n3A_324 = arith.select %lt3A_320, %broadcast_in_dim3A_323, %select_n3A_313 : vector<1024x128xi1>, vector<1024x128xi32>
    %slice3A_325 = vector.extract_strided_slice %dot_general3A_10 {offsets = [0, 3712], sizes = [1024, 128], strides = [1, 1]} : vector<1024x8192xf32> to vector<1024x128xf32>
    %sub3A_326 = vector.broadcast %broadcast_in_dim3A : vector<1024x1xf32> to vector<1024x128xf32>
    %sub3A_327 = arith.subf %sub3A_326, %slice3A_325 : vector<1024x128xf32>
    %slice3A_328 = vector.extract_strided_slice %get3A_13 {offsets = [0, 3712], sizes = [1, 128], strides = [1, 1]} : vector<1x8192xf32> to vector<1x128xf32>
    %add3A_329 = vector.broadcast %slice3A_328 : vector<1x128xf32> to vector<1024x128xf32>
    %add3A_330 = arith.addf %sub3A_327, %add3A_329 : vector<1024x128xf32>
    %lt3A_331 = arith.cmpf olt, %add3A_330, %select_n3A_321 : vector<1024x128xf32>
    %select_n3A_332 = arith.select %lt3A_331, %add3A_330, %select_n3A_321 : vector<1024x128xi1>, vector<1024x128xf32>
    %jit3A_333 = arith.constant 29 : i32
    %broadcast_in_dim3A_334 = vector.broadcast %jit3A_333 : i32 to vector<1024x128xi32>
    %select_n3A_335 = arith.select %lt3A_331, %broadcast_in_dim3A_334, %select_n3A_324 : vector<1024x128xi1>, vector<1024x128xi32>
    %slice3A_336 = vector.extract_strided_slice %dot_general3A_10 {offsets = [0, 3840], sizes = [1024, 128], strides = [1, 1]} : vector<1024x8192xf32> to vector<1024x128xf32>
    %sub3A_337 = vector.broadcast %broadcast_in_dim3A : vector<1024x1xf32> to vector<1024x128xf32>
    %sub3A_338 = arith.subf %sub3A_337, %slice3A_336 : vector<1024x128xf32>
    %slice3A_339 = vector.extract_strided_slice %get3A_13 {offsets = [0, 3840], sizes = [1, 128], strides = [1, 1]} : vector<1x8192xf32> to vector<1x128xf32>
    %add3A_340 = vector.broadcast %slice3A_339 : vector<1x128xf32> to vector<1024x128xf32>
    %add3A_341 = arith.addf %sub3A_338, %add3A_340 : vector<1024x128xf32>
    %lt3A_342 = arith.cmpf olt, %add3A_341, %select_n3A_332 : vector<1024x128xf32>
    %select_n3A_343 = arith.select %lt3A_342, %add3A_341, %select_n3A_332 : vector<1024x128xi1>, vector<1024x128xf32>
    %jit3A_344 = arith.constant 30 : i32
    %broadcast_in_dim3A_345 = vector.broadcast %jit3A_344 : i32 to vector<1024x128xi32>
    %select_n3A_346 = arith.select %lt3A_342, %broadcast_in_dim3A_345, %select_n3A_335 : vector<1024x128xi1>, vector<1024x128xi32>
    %slice3A_347 = vector.extract_strided_slice %dot_general3A_10 {offsets = [0, 3968], sizes = [1024, 128], strides = [1, 1]} : vector<1024x8192xf32> to vector<1024x128xf32>
    %sub3A_348 = vector.broadcast %broadcast_in_dim3A : vector<1024x1xf32> to vector<1024x128xf32>
    %sub3A_349 = arith.subf %sub3A_348, %slice3A_347 : vector<1024x128xf32>
    %slice3A_350 = vector.extract_strided_slice %get3A_13 {offsets = [0, 3968], sizes = [1, 128], strides = [1, 1]} : vector<1x8192xf32> to vector<1x128xf32>
    %add3A_351 = vector.broadcast %slice3A_350 : vector<1x128xf32> to vector<1024x128xf32>
    %add3A_352 = arith.addf %sub3A_349, %add3A_351 : vector<1024x128xf32>
    %lt3A_353 = arith.cmpf olt, %add3A_352, %select_n3A_343 : vector<1024x128xf32>
    %select_n3A_354 = arith.select %lt3A_353, %add3A_352, %select_n3A_343 : vector<1024x128xi1>, vector<1024x128xf32>
    %jit3A_355 = arith.constant 31 : i32
    %broadcast_in_dim3A_356 = vector.broadcast %jit3A_355 : i32 to vector<1024x128xi32>
    %select_n3A_357 = arith.select %lt3A_353, %broadcast_in_dim3A_356, %select_n3A_346 : vector<1024x128xi1>, vector<1024x128xi32>
    %slice3A_358 = vector.extract_strided_slice %dot_general3A_10 {offsets = [0, 4096], sizes = [1024, 128], strides = [1, 1]} : vector<1024x8192xf32> to vector<1024x128xf32>
    %sub3A_359 = vector.broadcast %broadcast_in_dim3A : vector<1024x1xf32> to vector<1024x128xf32>
    %sub3A_360 = arith.subf %sub3A_359, %slice3A_358 : vector<1024x128xf32>
    %slice3A_361 = vector.extract_strided_slice %get3A_13 {offsets = [0, 4096], sizes = [1, 128], strides = [1, 1]} : vector<1x8192xf32> to vector<1x128xf32>
    %add3A_362 = vector.broadcast %slice3A_361 : vector<1x128xf32> to vector<1024x128xf32>
    %add3A_363 = arith.addf %sub3A_360, %add3A_362 : vector<1024x128xf32>
    %lt3A_364 = arith.cmpf olt, %add3A_363, %select_n3A_354 : vector<1024x128xf32>
    %select_n3A_365 = arith.select %lt3A_364, %add3A_363, %select_n3A_354 : vector<1024x128xi1>, vector<1024x128xf32>
    %jit3A_366 = arith.constant 32 : i32
    %broadcast_in_dim3A_367 = vector.broadcast %jit3A_366 : i32 to vector<1024x128xi32>
    %select_n3A_368 = arith.select %lt3A_364, %broadcast_in_dim3A_367, %select_n3A_357 : vector<1024x128xi1>, vector<1024x128xi32>
    %slice3A_369 = vector.extract_strided_slice %dot_general3A_10 {offsets = [0, 4224], sizes = [1024, 128], strides = [1, 1]} : vector<1024x8192xf32> to vector<1024x128xf32>
    %sub3A_370 = vector.broadcast %broadcast_in_dim3A : vector<1024x1xf32> to vector<1024x128xf32>
    %sub3A_371 = arith.subf %sub3A_370, %slice3A_369 : vector<1024x128xf32>
    %slice3A_372 = vector.extract_strided_slice %get3A_13 {offsets = [0, 4224], sizes = [1, 128], strides = [1, 1]} : vector<1x8192xf32> to vector<1x128xf32>
    %add3A_373 = vector.broadcast %slice3A_372 : vector<1x128xf32> to vector<1024x128xf32>
    %add3A_374 = arith.addf %sub3A_371, %add3A_373 : vector<1024x128xf32>
    %lt3A_375 = arith.cmpf olt, %add3A_374, %select_n3A_365 : vector<1024x128xf32>
    %select_n3A_376 = arith.select %lt3A_375, %add3A_374, %select_n3A_365 : vector<1024x128xi1>, vector<1024x128xf32>
    %jit3A_377 = arith.constant 33 : i32
    %broadcast_in_dim3A_378 = vector.broadcast %jit3A_377 : i32 to vector<1024x128xi32>
    %select_n3A_379 = arith.select %lt3A_375, %broadcast_in_dim3A_378, %select_n3A_368 : vector<1024x128xi1>, vector<1024x128xi32>
    %slice3A_380 = vector.extract_strided_slice %dot_general3A_10 {offsets = [0, 4352], sizes = [1024, 128], strides = [1, 1]} : vector<1024x8192xf32> to vector<1024x128xf32>
    %sub3A_381 = vector.broadcast %broadcast_in_dim3A : vector<1024x1xf32> to vector<1024x128xf32>
    %sub3A_382 = arith.subf %sub3A_381, %slice3A_380 : vector<1024x128xf32>
    %slice3A_383 = vector.extract_strided_slice %get3A_13 {offsets = [0, 4352], sizes = [1, 128], strides = [1, 1]} : vector<1x8192xf32> to vector<1x128xf32>
    %add3A_384 = vector.broadcast %slice3A_383 : vector<1x128xf32> to vector<1024x128xf32>
    %add3A_385 = arith.addf %sub3A_382, %add3A_384 : vector<1024x128xf32>
    %lt3A_386 = arith.cmpf olt, %add3A_385, %select_n3A_376 : vector<1024x128xf32>
    %select_n3A_387 = arith.select %lt3A_386, %add3A_385, %select_n3A_376 : vector<1024x128xi1>, vector<1024x128xf32>
    %jit3A_388 = arith.constant 34 : i32
    %broadcast_in_dim3A_389 = vector.broadcast %jit3A_388 : i32 to vector<1024x128xi32>
    %select_n3A_390 = arith.select %lt3A_386, %broadcast_in_dim3A_389, %select_n3A_379 : vector<1024x128xi1>, vector<1024x128xi32>
    %slice3A_391 = vector.extract_strided_slice %dot_general3A_10 {offsets = [0, 4480], sizes = [1024, 128], strides = [1, 1]} : vector<1024x8192xf32> to vector<1024x128xf32>
    %sub3A_392 = vector.broadcast %broadcast_in_dim3A : vector<1024x1xf32> to vector<1024x128xf32>
    %sub3A_393 = arith.subf %sub3A_392, %slice3A_391 : vector<1024x128xf32>
    %slice3A_394 = vector.extract_strided_slice %get3A_13 {offsets = [0, 4480], sizes = [1, 128], strides = [1, 1]} : vector<1x8192xf32> to vector<1x128xf32>
    %add3A_395 = vector.broadcast %slice3A_394 : vector<1x128xf32> to vector<1024x128xf32>
    %add3A_396 = arith.addf %sub3A_393, %add3A_395 : vector<1024x128xf32>
    %lt3A_397 = arith.cmpf olt, %add3A_396, %select_n3A_387 : vector<1024x128xf32>
    %select_n3A_398 = arith.select %lt3A_397, %add3A_396, %select_n3A_387 : vector<1024x128xi1>, vector<1024x128xf32>
    %jit3A_399 = arith.constant 35 : i32
    %broadcast_in_dim3A_400 = vector.broadcast %jit3A_399 : i32 to vector<1024x128xi32>
    %select_n3A_401 = arith.select %lt3A_397, %broadcast_in_dim3A_400, %select_n3A_390 : vector<1024x128xi1>, vector<1024x128xi32>
    %slice3A_402 = vector.extract_strided_slice %dot_general3A_10 {offsets = [0, 4608], sizes = [1024, 128], strides = [1, 1]} : vector<1024x8192xf32> to vector<1024x128xf32>
    %sub3A_403 = vector.broadcast %broadcast_in_dim3A : vector<1024x1xf32> to vector<1024x128xf32>
    %sub3A_404 = arith.subf %sub3A_403, %slice3A_402 : vector<1024x128xf32>
    %slice3A_405 = vector.extract_strided_slice %get3A_13 {offsets = [0, 4608], sizes = [1, 128], strides = [1, 1]} : vector<1x8192xf32> to vector<1x128xf32>
    %add3A_406 = vector.broadcast %slice3A_405 : vector<1x128xf32> to vector<1024x128xf32>
    %add3A_407 = arith.addf %sub3A_404, %add3A_406 : vector<1024x128xf32>
    %lt3A_408 = arith.cmpf olt, %add3A_407, %select_n3A_398 : vector<1024x128xf32>
    %select_n3A_409 = arith.select %lt3A_408, %add3A_407, %select_n3A_398 : vector<1024x128xi1>, vector<1024x128xf32>
    %jit3A_410 = arith.constant 36 : i32
    %broadcast_in_dim3A_411 = vector.broadcast %jit3A_410 : i32 to vector<1024x128xi32>
    %select_n3A_412 = arith.select %lt3A_408, %broadcast_in_dim3A_411, %select_n3A_401 : vector<1024x128xi1>, vector<1024x128xi32>
    %slice3A_413 = vector.extract_strided_slice %dot_general3A_10 {offsets = [0, 4736], sizes = [1024, 128], strides = [1, 1]} : vector<1024x8192xf32> to vector<1024x128xf32>
    %sub3A_414 = vector.broadcast %broadcast_in_dim3A : vector<1024x1xf32> to vector<1024x128xf32>
    %sub3A_415 = arith.subf %sub3A_414, %slice3A_413 : vector<1024x128xf32>
    %slice3A_416 = vector.extract_strided_slice %get3A_13 {offsets = [0, 4736], sizes = [1, 128], strides = [1, 1]} : vector<1x8192xf32> to vector<1x128xf32>
    %add3A_417 = vector.broadcast %slice3A_416 : vector<1x128xf32> to vector<1024x128xf32>
    %add3A_418 = arith.addf %sub3A_415, %add3A_417 : vector<1024x128xf32>
    %lt3A_419 = arith.cmpf olt, %add3A_418, %select_n3A_409 : vector<1024x128xf32>
    %select_n3A_420 = arith.select %lt3A_419, %add3A_418, %select_n3A_409 : vector<1024x128xi1>, vector<1024x128xf32>
    %jit3A_421 = arith.constant 37 : i32
    %broadcast_in_dim3A_422 = vector.broadcast %jit3A_421 : i32 to vector<1024x128xi32>
    %select_n3A_423 = arith.select %lt3A_419, %broadcast_in_dim3A_422, %select_n3A_412 : vector<1024x128xi1>, vector<1024x128xi32>
    %slice3A_424 = vector.extract_strided_slice %dot_general3A_10 {offsets = [0, 4864], sizes = [1024, 128], strides = [1, 1]} : vector<1024x8192xf32> to vector<1024x128xf32>
    %sub3A_425 = vector.broadcast %broadcast_in_dim3A : vector<1024x1xf32> to vector<1024x128xf32>
    %sub3A_426 = arith.subf %sub3A_425, %slice3A_424 : vector<1024x128xf32>
    %slice3A_427 = vector.extract_strided_slice %get3A_13 {offsets = [0, 4864], sizes = [1, 128], strides = [1, 1]} : vector<1x8192xf32> to vector<1x128xf32>
    %add3A_428 = vector.broadcast %slice3A_427 : vector<1x128xf32> to vector<1024x128xf32>
    %add3A_429 = arith.addf %sub3A_426, %add3A_428 : vector<1024x128xf32>
    %lt3A_430 = arith.cmpf olt, %add3A_429, %select_n3A_420 : vector<1024x128xf32>
    %select_n3A_431 = arith.select %lt3A_430, %add3A_429, %select_n3A_420 : vector<1024x128xi1>, vector<1024x128xf32>
    %jit3A_432 = arith.constant 38 : i32
    %broadcast_in_dim3A_433 = vector.broadcast %jit3A_432 : i32 to vector<1024x128xi32>
    %select_n3A_434 = arith.select %lt3A_430, %broadcast_in_dim3A_433, %select_n3A_423 : vector<1024x128xi1>, vector<1024x128xi32>
    %slice3A_435 = vector.extract_strided_slice %dot_general3A_10 {offsets = [0, 4992], sizes = [1024, 128], strides = [1, 1]} : vector<1024x8192xf32> to vector<1024x128xf32>
    %sub3A_436 = vector.broadcast %broadcast_in_dim3A : vector<1024x1xf32> to vector<1024x128xf32>
    %sub3A_437 = arith.subf %sub3A_436, %slice3A_435 : vector<1024x128xf32>
    %slice3A_438 = vector.extract_strided_slice %get3A_13 {offsets = [0, 4992], sizes = [1, 128], strides = [1, 1]} : vector<1x8192xf32> to vector<1x128xf32>
    %add3A_439 = vector.broadcast %slice3A_438 : vector<1x128xf32> to vector<1024x128xf32>
    %add3A_440 = arith.addf %sub3A_437, %add3A_439 : vector<1024x128xf32>
    %lt3A_441 = arith.cmpf olt, %add3A_440, %select_n3A_431 : vector<1024x128xf32>
    %select_n3A_442 = arith.select %lt3A_441, %add3A_440, %select_n3A_431 : vector<1024x128xi1>, vector<1024x128xf32>
    %jit3A_443 = arith.constant 39 : i32
    %broadcast_in_dim3A_444 = vector.broadcast %jit3A_443 : i32 to vector<1024x128xi32>
    %select_n3A_445 = arith.select %lt3A_441, %broadcast_in_dim3A_444, %select_n3A_434 : vector<1024x128xi1>, vector<1024x128xi32>
    %slice3A_446 = vector.extract_strided_slice %dot_general3A_10 {offsets = [0, 5120], sizes = [1024, 128], strides = [1, 1]} : vector<1024x8192xf32> to vector<1024x128xf32>
    %sub3A_447 = vector.broadcast %broadcast_in_dim3A : vector<1024x1xf32> to vector<1024x128xf32>
    %sub3A_448 = arith.subf %sub3A_447, %slice3A_446 : vector<1024x128xf32>
    %slice3A_449 = vector.extract_strided_slice %get3A_13 {offsets = [0, 5120], sizes = [1, 128], strides = [1, 1]} : vector<1x8192xf32> to vector<1x128xf32>
    %add3A_450 = vector.broadcast %slice3A_449 : vector<1x128xf32> to vector<1024x128xf32>
    %add3A_451 = arith.addf %sub3A_448, %add3A_450 : vector<1024x128xf32>
    %lt3A_452 = arith.cmpf olt, %add3A_451, %select_n3A_442 : vector<1024x128xf32>
    %select_n3A_453 = arith.select %lt3A_452, %add3A_451, %select_n3A_442 : vector<1024x128xi1>, vector<1024x128xf32>
    %jit3A_454 = arith.constant 40 : i32
    %broadcast_in_dim3A_455 = vector.broadcast %jit3A_454 : i32 to vector<1024x128xi32>
    %select_n3A_456 = arith.select %lt3A_452, %broadcast_in_dim3A_455, %select_n3A_445 : vector<1024x128xi1>, vector<1024x128xi32>
    %slice3A_457 = vector.extract_strided_slice %dot_general3A_10 {offsets = [0, 5248], sizes = [1024, 128], strides = [1, 1]} : vector<1024x8192xf32> to vector<1024x128xf32>
    %sub3A_458 = vector.broadcast %broadcast_in_dim3A : vector<1024x1xf32> to vector<1024x128xf32>
    %sub3A_459 = arith.subf %sub3A_458, %slice3A_457 : vector<1024x128xf32>
    %slice3A_460 = vector.extract_strided_slice %get3A_13 {offsets = [0, 5248], sizes = [1, 128], strides = [1, 1]} : vector<1x8192xf32> to vector<1x128xf32>
    %add3A_461 = vector.broadcast %slice3A_460 : vector<1x128xf32> to vector<1024x128xf32>
    %add3A_462 = arith.addf %sub3A_459, %add3A_461 : vector<1024x128xf32>
    %lt3A_463 = arith.cmpf olt, %add3A_462, %select_n3A_453 : vector<1024x128xf32>
    %select_n3A_464 = arith.select %lt3A_463, %add3A_462, %select_n3A_453 : vector<1024x128xi1>, vector<1024x128xf32>
    %jit3A_465 = arith.constant 41 : i32
    %broadcast_in_dim3A_466 = vector.broadcast %jit3A_465 : i32 to vector<1024x128xi32>
    %select_n3A_467 = arith.select %lt3A_463, %broadcast_in_dim3A_466, %select_n3A_456 : vector<1024x128xi1>, vector<1024x128xi32>
    %slice3A_468 = vector.extract_strided_slice %dot_general3A_10 {offsets = [0, 5376], sizes = [1024, 128], strides = [1, 1]} : vector<1024x8192xf32> to vector<1024x128xf32>
    %sub3A_469 = vector.broadcast %broadcast_in_dim3A : vector<1024x1xf32> to vector<1024x128xf32>
    %sub3A_470 = arith.subf %sub3A_469, %slice3A_468 : vector<1024x128xf32>
    %slice3A_471 = vector.extract_strided_slice %get3A_13 {offsets = [0, 5376], sizes = [1, 128], strides = [1, 1]} : vector<1x8192xf32> to vector<1x128xf32>
    %add3A_472 = vector.broadcast %slice3A_471 : vector<1x128xf32> to vector<1024x128xf32>
    %add3A_473 = arith.addf %sub3A_470, %add3A_472 : vector<1024x128xf32>
    %lt3A_474 = arith.cmpf olt, %add3A_473, %select_n3A_464 : vector<1024x128xf32>
    %select_n3A_475 = arith.select %lt3A_474, %add3A_473, %select_n3A_464 : vector<1024x128xi1>, vector<1024x128xf32>
    %jit3A_476 = arith.constant 42 : i32
    %broadcast_in_dim3A_477 = vector.broadcast %jit3A_476 : i32 to vector<1024x128xi32>
    %select_n3A_478 = arith.select %lt3A_474, %broadcast_in_dim3A_477, %select_n3A_467 : vector<1024x128xi1>, vector<1024x128xi32>
    %slice3A_479 = vector.extract_strided_slice %dot_general3A_10 {offsets = [0, 5504], sizes = [1024, 128], strides = [1, 1]} : vector<1024x8192xf32> to vector<1024x128xf32>
    %sub3A_480 = vector.broadcast %broadcast_in_dim3A : vector<1024x1xf32> to vector<1024x128xf32>
    %sub3A_481 = arith.subf %sub3A_480, %slice3A_479 : vector<1024x128xf32>
    %slice3A_482 = vector.extract_strided_slice %get3A_13 {offsets = [0, 5504], sizes = [1, 128], strides = [1, 1]} : vector<1x8192xf32> to vector<1x128xf32>
    %add3A_483 = vector.broadcast %slice3A_482 : vector<1x128xf32> to vector<1024x128xf32>
    %add3A_484 = arith.addf %sub3A_481, %add3A_483 : vector<1024x128xf32>
    %lt3A_485 = arith.cmpf olt, %add3A_484, %select_n3A_475 : vector<1024x128xf32>
    %select_n3A_486 = arith.select %lt3A_485, %add3A_484, %select_n3A_475 : vector<1024x128xi1>, vector<1024x128xf32>
    %jit3A_487 = arith.constant 43 : i32
    %broadcast_in_dim3A_488 = vector.broadcast %jit3A_487 : i32 to vector<1024x128xi32>
    %select_n3A_489 = arith.select %lt3A_485, %broadcast_in_dim3A_488, %select_n3A_478 : vector<1024x128xi1>, vector<1024x128xi32>
    %slice3A_490 = vector.extract_strided_slice %dot_general3A_10 {offsets = [0, 5632], sizes = [1024, 128], strides = [1, 1]} : vector<1024x8192xf32> to vector<1024x128xf32>
    %sub3A_491 = vector.broadcast %broadcast_in_dim3A : vector<1024x1xf32> to vector<1024x128xf32>
    %sub3A_492 = arith.subf %sub3A_491, %slice3A_490 : vector<1024x128xf32>
    %slice3A_493 = vector.extract_strided_slice %get3A_13 {offsets = [0, 5632], sizes = [1, 128], strides = [1, 1]} : vector<1x8192xf32> to vector<1x128xf32>
    %add3A_494 = vector.broadcast %slice3A_493 : vector<1x128xf32> to vector<1024x128xf32>
    %add3A_495 = arith.addf %sub3A_492, %add3A_494 : vector<1024x128xf32>
    %lt3A_496 = arith.cmpf olt, %add3A_495, %select_n3A_486 : vector<1024x128xf32>
    %select_n3A_497 = arith.select %lt3A_496, %add3A_495, %select_n3A_486 : vector<1024x128xi1>, vector<1024x128xf32>
    %jit3A_498 = arith.constant 44 : i32
    %broadcast_in_dim3A_499 = vector.broadcast %jit3A_498 : i32 to vector<1024x128xi32>
    %select_n3A_500 = arith.select %lt3A_496, %broadcast_in_dim3A_499, %select_n3A_489 : vector<1024x128xi1>, vector<1024x128xi32>
    %slice3A_501 = vector.extract_strided_slice %dot_general3A_10 {offsets = [0, 5760], sizes = [1024, 128], strides = [1, 1]} : vector<1024x8192xf32> to vector<1024x128xf32>
    %sub3A_502 = vector.broadcast %broadcast_in_dim3A : vector<1024x1xf32> to vector<1024x128xf32>
    %sub3A_503 = arith.subf %sub3A_502, %slice3A_501 : vector<1024x128xf32>
    %slice3A_504 = vector.extract_strided_slice %get3A_13 {offsets = [0, 5760], sizes = [1, 128], strides = [1, 1]} : vector<1x8192xf32> to vector<1x128xf32>
    %add3A_505 = vector.broadcast %slice3A_504 : vector<1x128xf32> to vector<1024x128xf32>
    %add3A_506 = arith.addf %sub3A_503, %add3A_505 : vector<1024x128xf32>
    %lt3A_507 = arith.cmpf olt, %add3A_506, %select_n3A_497 : vector<1024x128xf32>
    %select_n3A_508 = arith.select %lt3A_507, %add3A_506, %select_n3A_497 : vector<1024x128xi1>, vector<1024x128xf32>
    %jit3A_509 = arith.constant 45 : i32
    %broadcast_in_dim3A_510 = vector.broadcast %jit3A_509 : i32 to vector<1024x128xi32>
    %select_n3A_511 = arith.select %lt3A_507, %broadcast_in_dim3A_510, %select_n3A_500 : vector<1024x128xi1>, vector<1024x128xi32>
    %slice3A_512 = vector.extract_strided_slice %dot_general3A_10 {offsets = [0, 5888], sizes = [1024, 128], strides = [1, 1]} : vector<1024x8192xf32> to vector<1024x128xf32>
    %sub3A_513 = vector.broadcast %broadcast_in_dim3A : vector<1024x1xf32> to vector<1024x128xf32>
    %sub3A_514 = arith.subf %sub3A_513, %slice3A_512 : vector<1024x128xf32>
    %slice3A_515 = vector.extract_strided_slice %get3A_13 {offsets = [0, 5888], sizes = [1, 128], strides = [1, 1]} : vector<1x8192xf32> to vector<1x128xf32>
    %add3A_516 = vector.broadcast %slice3A_515 : vector<1x128xf32> to vector<1024x128xf32>
    %add3A_517 = arith.addf %sub3A_514, %add3A_516 : vector<1024x128xf32>
    %lt3A_518 = arith.cmpf olt, %add3A_517, %select_n3A_508 : vector<1024x128xf32>
    %select_n3A_519 = arith.select %lt3A_518, %add3A_517, %select_n3A_508 : vector<1024x128xi1>, vector<1024x128xf32>
    %jit3A_520 = arith.constant 46 : i32
    %broadcast_in_dim3A_521 = vector.broadcast %jit3A_520 : i32 to vector<1024x128xi32>
    %select_n3A_522 = arith.select %lt3A_518, %broadcast_in_dim3A_521, %select_n3A_511 : vector<1024x128xi1>, vector<1024x128xi32>
    %slice3A_523 = vector.extract_strided_slice %dot_general3A_10 {offsets = [0, 6016], sizes = [1024, 128], strides = [1, 1]} : vector<1024x8192xf32> to vector<1024x128xf32>
    %sub3A_524 = vector.broadcast %broadcast_in_dim3A : vector<1024x1xf32> to vector<1024x128xf32>
    %sub3A_525 = arith.subf %sub3A_524, %slice3A_523 : vector<1024x128xf32>
    %slice3A_526 = vector.extract_strided_slice %get3A_13 {offsets = [0, 6016], sizes = [1, 128], strides = [1, 1]} : vector<1x8192xf32> to vector<1x128xf32>
    %add3A_527 = vector.broadcast %slice3A_526 : vector<1x128xf32> to vector<1024x128xf32>
    %add3A_528 = arith.addf %sub3A_525, %add3A_527 : vector<1024x128xf32>
    %lt3A_529 = arith.cmpf olt, %add3A_528, %select_n3A_519 : vector<1024x128xf32>
    %select_n3A_530 = arith.select %lt3A_529, %add3A_528, %select_n3A_519 : vector<1024x128xi1>, vector<1024x128xf32>
    %jit3A_531 = arith.constant 47 : i32
    %broadcast_in_dim3A_532 = vector.broadcast %jit3A_531 : i32 to vector<1024x128xi32>
    %select_n3A_533 = arith.select %lt3A_529, %broadcast_in_dim3A_532, %select_n3A_522 : vector<1024x128xi1>, vector<1024x128xi32>
    %slice3A_534 = vector.extract_strided_slice %dot_general3A_10 {offsets = [0, 6144], sizes = [1024, 128], strides = [1, 1]} : vector<1024x8192xf32> to vector<1024x128xf32>
    %sub3A_535 = vector.broadcast %broadcast_in_dim3A : vector<1024x1xf32> to vector<1024x128xf32>
    %sub3A_536 = arith.subf %sub3A_535, %slice3A_534 : vector<1024x128xf32>
    %slice3A_537 = vector.extract_strided_slice %get3A_13 {offsets = [0, 6144], sizes = [1, 128], strides = [1, 1]} : vector<1x8192xf32> to vector<1x128xf32>
    %add3A_538 = vector.broadcast %slice3A_537 : vector<1x128xf32> to vector<1024x128xf32>
    %add3A_539 = arith.addf %sub3A_536, %add3A_538 : vector<1024x128xf32>
    %lt3A_540 = arith.cmpf olt, %add3A_539, %select_n3A_530 : vector<1024x128xf32>
    %select_n3A_541 = arith.select %lt3A_540, %add3A_539, %select_n3A_530 : vector<1024x128xi1>, vector<1024x128xf32>
    %jit3A_542 = arith.constant 48 : i32
    %broadcast_in_dim3A_543 = vector.broadcast %jit3A_542 : i32 to vector<1024x128xi32>
    %select_n3A_544 = arith.select %lt3A_540, %broadcast_in_dim3A_543, %select_n3A_533 : vector<1024x128xi1>, vector<1024x128xi32>
    %slice3A_545 = vector.extract_strided_slice %dot_general3A_10 {offsets = [0, 6272], sizes = [1024, 128], strides = [1, 1]} : vector<1024x8192xf32> to vector<1024x128xf32>
    %sub3A_546 = vector.broadcast %broadcast_in_dim3A : vector<1024x1xf32> to vector<1024x128xf32>
    %sub3A_547 = arith.subf %sub3A_546, %slice3A_545 : vector<1024x128xf32>
    %slice3A_548 = vector.extract_strided_slice %get3A_13 {offsets = [0, 6272], sizes = [1, 128], strides = [1, 1]} : vector<1x8192xf32> to vector<1x128xf32>
    %add3A_549 = vector.broadcast %slice3A_548 : vector<1x128xf32> to vector<1024x128xf32>
    %add3A_550 = arith.addf %sub3A_547, %add3A_549 : vector<1024x128xf32>
    %lt3A_551 = arith.cmpf olt, %add3A_550, %select_n3A_541 : vector<1024x128xf32>
    %select_n3A_552 = arith.select %lt3A_551, %add3A_550, %select_n3A_541 : vector<1024x128xi1>, vector<1024x128xf32>
    %jit3A_553 = arith.constant 49 : i32
    %broadcast_in_dim3A_554 = vector.broadcast %jit3A_553 : i32 to vector<1024x128xi32>
    %select_n3A_555 = arith.select %lt3A_551, %broadcast_in_dim3A_554, %select_n3A_544 : vector<1024x128xi1>, vector<1024x128xi32>
    %slice3A_556 = vector.extract_strided_slice %dot_general3A_10 {offsets = [0, 6400], sizes = [1024, 128], strides = [1, 1]} : vector<1024x8192xf32> to vector<1024x128xf32>
    %sub3A_557 = vector.broadcast %broadcast_in_dim3A : vector<1024x1xf32> to vector<1024x128xf32>
    %sub3A_558 = arith.subf %sub3A_557, %slice3A_556 : vector<1024x128xf32>
    %slice3A_559 = vector.extract_strided_slice %get3A_13 {offsets = [0, 6400], sizes = [1, 128], strides = [1, 1]} : vector<1x8192xf32> to vector<1x128xf32>
    %add3A_560 = vector.broadcast %slice3A_559 : vector<1x128xf32> to vector<1024x128xf32>
    %add3A_561 = arith.addf %sub3A_558, %add3A_560 : vector<1024x128xf32>
    %lt3A_562 = arith.cmpf olt, %add3A_561, %select_n3A_552 : vector<1024x128xf32>
    %select_n3A_563 = arith.select %lt3A_562, %add3A_561, %select_n3A_552 : vector<1024x128xi1>, vector<1024x128xf32>
    %jit3A_564 = arith.constant 50 : i32
    %broadcast_in_dim3A_565 = vector.broadcast %jit3A_564 : i32 to vector<1024x128xi32>
    %select_n3A_566 = arith.select %lt3A_562, %broadcast_in_dim3A_565, %select_n3A_555 : vector<1024x128xi1>, vector<1024x128xi32>
    %slice3A_567 = vector.extract_strided_slice %dot_general3A_10 {offsets = [0, 6528], sizes = [1024, 128], strides = [1, 1]} : vector<1024x8192xf32> to vector<1024x128xf32>
    %sub3A_568 = vector.broadcast %broadcast_in_dim3A : vector<1024x1xf32> to vector<1024x128xf32>
    %sub3A_569 = arith.subf %sub3A_568, %slice3A_567 : vector<1024x128xf32>
    %slice3A_570 = vector.extract_strided_slice %get3A_13 {offsets = [0, 6528], sizes = [1, 128], strides = [1, 1]} : vector<1x8192xf32> to vector<1x128xf32>
    %add3A_571 = vector.broadcast %slice3A_570 : vector<1x128xf32> to vector<1024x128xf32>
    %add3A_572 = arith.addf %sub3A_569, %add3A_571 : vector<1024x128xf32>
    %lt3A_573 = arith.cmpf olt, %add3A_572, %select_n3A_563 : vector<1024x128xf32>
    %select_n3A_574 = arith.select %lt3A_573, %add3A_572, %select_n3A_563 : vector<1024x128xi1>, vector<1024x128xf32>
    %jit3A_575 = arith.constant 51 : i32
    %broadcast_in_dim3A_576 = vector.broadcast %jit3A_575 : i32 to vector<1024x128xi32>
    %select_n3A_577 = arith.select %lt3A_573, %broadcast_in_dim3A_576, %select_n3A_566 : vector<1024x128xi1>, vector<1024x128xi32>
    %slice3A_578 = vector.extract_strided_slice %dot_general3A_10 {offsets = [0, 6656], sizes = [1024, 128], strides = [1, 1]} : vector<1024x8192xf32> to vector<1024x128xf32>
    %sub3A_579 = vector.broadcast %broadcast_in_dim3A : vector<1024x1xf32> to vector<1024x128xf32>
    %sub3A_580 = arith.subf %sub3A_579, %slice3A_578 : vector<1024x128xf32>
    %slice3A_581 = vector.extract_strided_slice %get3A_13 {offsets = [0, 6656], sizes = [1, 128], strides = [1, 1]} : vector<1x8192xf32> to vector<1x128xf32>
    %add3A_582 = vector.broadcast %slice3A_581 : vector<1x128xf32> to vector<1024x128xf32>
    %add3A_583 = arith.addf %sub3A_580, %add3A_582 : vector<1024x128xf32>
    %lt3A_584 = arith.cmpf olt, %add3A_583, %select_n3A_574 : vector<1024x128xf32>
    %select_n3A_585 = arith.select %lt3A_584, %add3A_583, %select_n3A_574 : vector<1024x128xi1>, vector<1024x128xf32>
    %jit3A_586 = arith.constant 52 : i32
    %broadcast_in_dim3A_587 = vector.broadcast %jit3A_586 : i32 to vector<1024x128xi32>
    %select_n3A_588 = arith.select %lt3A_584, %broadcast_in_dim3A_587, %select_n3A_577 : vector<1024x128xi1>, vector<1024x128xi32>
    %slice3A_589 = vector.extract_strided_slice %dot_general3A_10 {offsets = [0, 6784], sizes = [1024, 128], strides = [1, 1]} : vector<1024x8192xf32> to vector<1024x128xf32>
    %sub3A_590 = vector.broadcast %broadcast_in_dim3A : vector<1024x1xf32> to vector<1024x128xf32>
    %sub3A_591 = arith.subf %sub3A_590, %slice3A_589 : vector<1024x128xf32>
    %slice3A_592 = vector.extract_strided_slice %get3A_13 {offsets = [0, 6784], sizes = [1, 128], strides = [1, 1]} : vector<1x8192xf32> to vector<1x128xf32>
    %add3A_593 = vector.broadcast %slice3A_592 : vector<1x128xf32> to vector<1024x128xf32>
    %add3A_594 = arith.addf %sub3A_591, %add3A_593 : vector<1024x128xf32>
    %lt3A_595 = arith.cmpf olt, %add3A_594, %select_n3A_585 : vector<1024x128xf32>
    %select_n3A_596 = arith.select %lt3A_595, %add3A_594, %select_n3A_585 : vector<1024x128xi1>, vector<1024x128xf32>
    %jit3A_597 = arith.constant 53 : i32
    %broadcast_in_dim3A_598 = vector.broadcast %jit3A_597 : i32 to vector<1024x128xi32>
    %select_n3A_599 = arith.select %lt3A_595, %broadcast_in_dim3A_598, %select_n3A_588 : vector<1024x128xi1>, vector<1024x128xi32>
    %slice3A_600 = vector.extract_strided_slice %dot_general3A_10 {offsets = [0, 6912], sizes = [1024, 128], strides = [1, 1]} : vector<1024x8192xf32> to vector<1024x128xf32>
    %sub3A_601 = vector.broadcast %broadcast_in_dim3A : vector<1024x1xf32> to vector<1024x128xf32>
    %sub3A_602 = arith.subf %sub3A_601, %slice3A_600 : vector<1024x128xf32>
    %slice3A_603 = vector.extract_strided_slice %get3A_13 {offsets = [0, 6912], sizes = [1, 128], strides = [1, 1]} : vector<1x8192xf32> to vector<1x128xf32>
    %add3A_604 = vector.broadcast %slice3A_603 : vector<1x128xf32> to vector<1024x128xf32>
    %add3A_605 = arith.addf %sub3A_602, %add3A_604 : vector<1024x128xf32>
    %lt3A_606 = arith.cmpf olt, %add3A_605, %select_n3A_596 : vector<1024x128xf32>
    %select_n3A_607 = arith.select %lt3A_606, %add3A_605, %select_n3A_596 : vector<1024x128xi1>, vector<1024x128xf32>
    %jit3A_608 = arith.constant 54 : i32
    %broadcast_in_dim3A_609 = vector.broadcast %jit3A_608 : i32 to vector<1024x128xi32>
    %select_n3A_610 = arith.select %lt3A_606, %broadcast_in_dim3A_609, %select_n3A_599 : vector<1024x128xi1>, vector<1024x128xi32>
    %slice3A_611 = vector.extract_strided_slice %dot_general3A_10 {offsets = [0, 7040], sizes = [1024, 128], strides = [1, 1]} : vector<1024x8192xf32> to vector<1024x128xf32>
    %sub3A_612 = vector.broadcast %broadcast_in_dim3A : vector<1024x1xf32> to vector<1024x128xf32>
    %sub3A_613 = arith.subf %sub3A_612, %slice3A_611 : vector<1024x128xf32>
    %slice3A_614 = vector.extract_strided_slice %get3A_13 {offsets = [0, 7040], sizes = [1, 128], strides = [1, 1]} : vector<1x8192xf32> to vector<1x128xf32>
    %add3A_615 = vector.broadcast %slice3A_614 : vector<1x128xf32> to vector<1024x128xf32>
    %add3A_616 = arith.addf %sub3A_613, %add3A_615 : vector<1024x128xf32>
    %lt3A_617 = arith.cmpf olt, %add3A_616, %select_n3A_607 : vector<1024x128xf32>
    %select_n3A_618 = arith.select %lt3A_617, %add3A_616, %select_n3A_607 : vector<1024x128xi1>, vector<1024x128xf32>
    %jit3A_619 = arith.constant 55 : i32
    %broadcast_in_dim3A_620 = vector.broadcast %jit3A_619 : i32 to vector<1024x128xi32>
    %select_n3A_621 = arith.select %lt3A_617, %broadcast_in_dim3A_620, %select_n3A_610 : vector<1024x128xi1>, vector<1024x128xi32>
    %slice3A_622 = vector.extract_strided_slice %dot_general3A_10 {offsets = [0, 7168], sizes = [1024, 128], strides = [1, 1]} : vector<1024x8192xf32> to vector<1024x128xf32>
    %sub3A_623 = vector.broadcast %broadcast_in_dim3A : vector<1024x1xf32> to vector<1024x128xf32>
    %sub3A_624 = arith.subf %sub3A_623, %slice3A_622 : vector<1024x128xf32>
    %slice3A_625 = vector.extract_strided_slice %get3A_13 {offsets = [0, 7168], sizes = [1, 128], strides = [1, 1]} : vector<1x8192xf32> to vector<1x128xf32>
    %add3A_626 = vector.broadcast %slice3A_625 : vector<1x128xf32> to vector<1024x128xf32>
    %add3A_627 = arith.addf %sub3A_624, %add3A_626 : vector<1024x128xf32>
    %lt3A_628 = arith.cmpf olt, %add3A_627, %select_n3A_618 : vector<1024x128xf32>
    %select_n3A_629 = arith.select %lt3A_628, %add3A_627, %select_n3A_618 : vector<1024x128xi1>, vector<1024x128xf32>
    %jit3A_630 = arith.constant 56 : i32
    %broadcast_in_dim3A_631 = vector.broadcast %jit3A_630 : i32 to vector<1024x128xi32>
    %select_n3A_632 = arith.select %lt3A_628, %broadcast_in_dim3A_631, %select_n3A_621 : vector<1024x128xi1>, vector<1024x128xi32>
    %slice3A_633 = vector.extract_strided_slice %dot_general3A_10 {offsets = [0, 7296], sizes = [1024, 128], strides = [1, 1]} : vector<1024x8192xf32> to vector<1024x128xf32>
    %sub3A_634 = vector.broadcast %broadcast_in_dim3A : vector<1024x1xf32> to vector<1024x128xf32>
    %sub3A_635 = arith.subf %sub3A_634, %slice3A_633 : vector<1024x128xf32>
    %slice3A_636 = vector.extract_strided_slice %get3A_13 {offsets = [0, 7296], sizes = [1, 128], strides = [1, 1]} : vector<1x8192xf32> to vector<1x128xf32>
    %add3A_637 = vector.broadcast %slice3A_636 : vector<1x128xf32> to vector<1024x128xf32>
    %add3A_638 = arith.addf %sub3A_635, %add3A_637 : vector<1024x128xf32>
    %lt3A_639 = arith.cmpf olt, %add3A_638, %select_n3A_629 : vector<1024x128xf32>
    %select_n3A_640 = arith.select %lt3A_639, %add3A_638, %select_n3A_629 : vector<1024x128xi1>, vector<1024x128xf32>
    %jit3A_641 = arith.constant 57 : i32
    %broadcast_in_dim3A_642 = vector.broadcast %jit3A_641 : i32 to vector<1024x128xi32>
    %select_n3A_643 = arith.select %lt3A_639, %broadcast_in_dim3A_642, %select_n3A_632 : vector<1024x128xi1>, vector<1024x128xi32>
    %slice3A_644 = vector.extract_strided_slice %dot_general3A_10 {offsets = [0, 7424], sizes = [1024, 128], strides = [1, 1]} : vector<1024x8192xf32> to vector<1024x128xf32>
    %sub3A_645 = vector.broadcast %broadcast_in_dim3A : vector<1024x1xf32> to vector<1024x128xf32>
    %sub3A_646 = arith.subf %sub3A_645, %slice3A_644 : vector<1024x128xf32>
    %slice3A_647 = vector.extract_strided_slice %get3A_13 {offsets = [0, 7424], sizes = [1, 128], strides = [1, 1]} : vector<1x8192xf32> to vector<1x128xf32>
    %add3A_648 = vector.broadcast %slice3A_647 : vector<1x128xf32> to vector<1024x128xf32>
    %add3A_649 = arith.addf %sub3A_646, %add3A_648 : vector<1024x128xf32>
    %lt3A_650 = arith.cmpf olt, %add3A_649, %select_n3A_640 : vector<1024x128xf32>
    %select_n3A_651 = arith.select %lt3A_650, %add3A_649, %select_n3A_640 : vector<1024x128xi1>, vector<1024x128xf32>
    %jit3A_652 = arith.constant 58 : i32
    %broadcast_in_dim3A_653 = vector.broadcast %jit3A_652 : i32 to vector<1024x128xi32>
    %select_n3A_654 = arith.select %lt3A_650, %broadcast_in_dim3A_653, %select_n3A_643 : vector<1024x128xi1>, vector<1024x128xi32>
    %slice3A_655 = vector.extract_strided_slice %dot_general3A_10 {offsets = [0, 7552], sizes = [1024, 128], strides = [1, 1]} : vector<1024x8192xf32> to vector<1024x128xf32>
    %sub3A_656 = vector.broadcast %broadcast_in_dim3A : vector<1024x1xf32> to vector<1024x128xf32>
    %sub3A_657 = arith.subf %sub3A_656, %slice3A_655 : vector<1024x128xf32>
    %slice3A_658 = vector.extract_strided_slice %get3A_13 {offsets = [0, 7552], sizes = [1, 128], strides = [1, 1]} : vector<1x8192xf32> to vector<1x128xf32>
    %add3A_659 = vector.broadcast %slice3A_658 : vector<1x128xf32> to vector<1024x128xf32>
    %add3A_660 = arith.addf %sub3A_657, %add3A_659 : vector<1024x128xf32>
    %lt3A_661 = arith.cmpf olt, %add3A_660, %select_n3A_651 : vector<1024x128xf32>
    %select_n3A_662 = arith.select %lt3A_661, %add3A_660, %select_n3A_651 : vector<1024x128xi1>, vector<1024x128xf32>
    %jit3A_663 = arith.constant 59 : i32
    %broadcast_in_dim3A_664 = vector.broadcast %jit3A_663 : i32 to vector<1024x128xi32>
    %select_n3A_665 = arith.select %lt3A_661, %broadcast_in_dim3A_664, %select_n3A_654 : vector<1024x128xi1>, vector<1024x128xi32>
    %slice3A_666 = vector.extract_strided_slice %dot_general3A_10 {offsets = [0, 7680], sizes = [1024, 128], strides = [1, 1]} : vector<1024x8192xf32> to vector<1024x128xf32>
    %sub3A_667 = vector.broadcast %broadcast_in_dim3A : vector<1024x1xf32> to vector<1024x128xf32>
    %sub3A_668 = arith.subf %sub3A_667, %slice3A_666 : vector<1024x128xf32>
    %slice3A_669 = vector.extract_strided_slice %get3A_13 {offsets = [0, 7680], sizes = [1, 128], strides = [1, 1]} : vector<1x8192xf32> to vector<1x128xf32>
    %add3A_670 = vector.broadcast %slice3A_669 : vector<1x128xf32> to vector<1024x128xf32>
    %add3A_671 = arith.addf %sub3A_668, %add3A_670 : vector<1024x128xf32>
    %lt3A_672 = arith.cmpf olt, %add3A_671, %select_n3A_662 : vector<1024x128xf32>
    %select_n3A_673 = arith.select %lt3A_672, %add3A_671, %select_n3A_662 : vector<1024x128xi1>, vector<1024x128xf32>
    %jit3A_674 = arith.constant 60 : i32
    %broadcast_in_dim3A_675 = vector.broadcast %jit3A_674 : i32 to vector<1024x128xi32>
    %select_n3A_676 = arith.select %lt3A_672, %broadcast_in_dim3A_675, %select_n3A_665 : vector<1024x128xi1>, vector<1024x128xi32>
    %slice3A_677 = vector.extract_strided_slice %dot_general3A_10 {offsets = [0, 7808], sizes = [1024, 128], strides = [1, 1]} : vector<1024x8192xf32> to vector<1024x128xf32>
    %sub3A_678 = vector.broadcast %broadcast_in_dim3A : vector<1024x1xf32> to vector<1024x128xf32>
    %sub3A_679 = arith.subf %sub3A_678, %slice3A_677 : vector<1024x128xf32>
    %slice3A_680 = vector.extract_strided_slice %get3A_13 {offsets = [0, 7808], sizes = [1, 128], strides = [1, 1]} : vector<1x8192xf32> to vector<1x128xf32>
    %add3A_681 = vector.broadcast %slice3A_680 : vector<1x128xf32> to vector<1024x128xf32>
    %add3A_682 = arith.addf %sub3A_679, %add3A_681 : vector<1024x128xf32>
    %lt3A_683 = arith.cmpf olt, %add3A_682, %select_n3A_673 : vector<1024x128xf32>
    %select_n3A_684 = arith.select %lt3A_683, %add3A_682, %select_n3A_673 : vector<1024x128xi1>, vector<1024x128xf32>
    %jit3A_685 = arith.constant 61 : i32
    %broadcast_in_dim3A_686 = vector.broadcast %jit3A_685 : i32 to vector<1024x128xi32>
    %select_n3A_687 = arith.select %lt3A_683, %broadcast_in_dim3A_686, %select_n3A_676 : vector<1024x128xi1>, vector<1024x128xi32>
    %slice3A_688 = vector.extract_strided_slice %dot_general3A_10 {offsets = [0, 7936], sizes = [1024, 128], strides = [1, 1]} : vector<1024x8192xf32> to vector<1024x128xf32>
    %sub3A_689 = vector.broadcast %broadcast_in_dim3A : vector<1024x1xf32> to vector<1024x128xf32>
    %sub3A_690 = arith.subf %sub3A_689, %slice3A_688 : vector<1024x128xf32>
    %slice3A_691 = vector.extract_strided_slice %get3A_13 {offsets = [0, 7936], sizes = [1, 128], strides = [1, 1]} : vector<1x8192xf32> to vector<1x128xf32>
    %add3A_692 = vector.broadcast %slice3A_691 : vector<1x128xf32> to vector<1024x128xf32>
    %add3A_693 = arith.addf %sub3A_690, %add3A_692 : vector<1024x128xf32>
    %lt3A_694 = arith.cmpf olt, %add3A_693, %select_n3A_684 : vector<1024x128xf32>
    %select_n3A_695 = arith.select %lt3A_694, %add3A_693, %select_n3A_684 : vector<1024x128xi1>, vector<1024x128xf32>
    %jit3A_696 = arith.constant 62 : i32
    %broadcast_in_dim3A_697 = vector.broadcast %jit3A_696 : i32 to vector<1024x128xi32>
    %select_n3A_698 = arith.select %lt3A_694, %broadcast_in_dim3A_697, %select_n3A_687 : vector<1024x128xi1>, vector<1024x128xi32>
    %slice3A_699 = vector.extract_strided_slice %dot_general3A_10 {offsets = [0, 8064], sizes = [1024, 128], strides = [1, 1]} : vector<1024x8192xf32> to vector<1024x128xf32>
    %sub3A_700 = vector.broadcast %broadcast_in_dim3A : vector<1024x1xf32> to vector<1024x128xf32>
    %sub3A_701 = arith.subf %sub3A_700, %slice3A_699 : vector<1024x128xf32>
    %slice3A_702 = vector.extract_strided_slice %get3A_13 {offsets = [0, 8064], sizes = [1, 128], strides = [1, 1]} : vector<1x8192xf32> to vector<1x128xf32>
    %add3A_703 = vector.broadcast %slice3A_702 : vector<1x128xf32> to vector<1024x128xf32>
    %add3A_704 = arith.addf %sub3A_701, %add3A_703 : vector<1024x128xf32>
    %lt3A_705 = arith.cmpf olt, %add3A_704, %select_n3A_695 : vector<1024x128xf32>
    %select_n3A_706 = arith.select %lt3A_705, %add3A_704, %select_n3A_695 : vector<1024x128xi1>, vector<1024x128xf32>
    %jit3A_707 = arith.constant 63 : i32
    %broadcast_in_dim3A_708 = vector.broadcast %jit3A_707 : i32 to vector<1024x128xi32>
    %select_n3A_709 = arith.select %lt3A_705, %broadcast_in_dim3A_708, %select_n3A_698 : vector<1024x128xi1>, vector<1024x128xi32>
    %reduce_min3A = arith.constant dense<0x7F800000> : vector<1024xf32>
    %reduce_min3A_710 = vector.multi_reduction <minimumf>, %select_n3A_706, %reduce_min3A [1] : vector<1024x128xf32> to vector<1024xf32>
    %broadcast_in_dim3A_711 = vector.shape_cast %reduce_min3A_710 : vector<1024xf32> to vector<1024x1xf32>
    %mul3A_712 = arith.constant 128 : i32
    %mul3A_713 = vector.broadcast %mul3A_712 : i32 to vector<1024x128xi32>
    %mul3A_714 = arith.muli %select_n3A_709, %mul3A_713 : vector<1024x128xi32>
    %iota3A = tpu.iota {dimensions = array<i32: 1>} : vector<1024x128xi32>
    %add3A_715 = arith.addi %mul3A_714, %iota3A : vector<1024x128xi32>
    %eq3A_716 = vector.broadcast %broadcast_in_dim3A_711 : vector<1024x1xf32> to vector<1024x128xf32>
    %eq3A_717 = arith.cmpf oeq, %select_n3A_706, %eq3A_716 : vector<1024x128xf32>
    %jit3A_718 = arith.constant 16384 : i32
    %broadcast_in_dim3A_719 = vector.broadcast %jit3A_718 : i32 to vector<1024x128xi32>
    %select_n3A_720 = arith.select %eq3A_717, %add3A_715, %broadcast_in_dim3A_719 : vector<1024x128xi1>, vector<1024x128xi32>
    %reduce_min3A_721 = arith.constant dense<2147483647> : vector<1024xi32>
    %reduce_min3A_722 = vector.multi_reduction <minsi>, %select_n3A_720, %reduce_min3A_721 [1] : vector<1024x128xi32> to vector<1024xi32>
    %broadcast_in_dim3A_723 = vector.shape_cast %reduce_min3A_722 : vector<1024xi32> to vector<1024x1xi32>
    %swap3A = arith.constant 0 : index
    %swap3A_724 = arith.constant 0 : index
    %swap3A_725 = vector.load %arg3[%swap3A, %swap3A_724] : memref<1024x1xi32, #tpu.memory_space<vmem>>, vector<1024x1xi32>
    tpu.vector_store %arg3[%swap3A, %swap3A_724], %broadcast_in_dim3A_723 {strides = array<i32>} : memref<1024x1xi32, #tpu.memory_space<vmem>>, vector<1024x1xi32>,
    return
  }
  func.func @transform_0(%arg0: i32) -> (i32, i32, i32) {
    %c0_i32 = arith.constant 0 : i32
    %c0_i32_0 = arith.constant 0 : i32
    %c0_i32_1 = arith.constant 0 : i32
    return %arg0, %c0_i32, %c0_i32_0 : i32, i32, i32
  }
  func.func @transform_1(%arg0: i32) -> (i32, i32) {
    %c0_i32 = arith.constant 0 : i32
    %c0_i32_0 = arith.constant 0 : i32
    %c0_i32_1 = arith.constant 0 : i32
    return %c0_i32, %c0_i32_0 : i32, i32
  }
  func.func @transform_2(%arg0: i32) -> (i32, i32) {
    %c0_i32 = arith.constant 0 : i32
    %c0_i32_0 = arith.constant 0 : i32
    return %arg0, %c0_i32 : i32, i32
  }
}

</mosaic_0001>

<sc_bundles>
// kernel: kernel.4.cloned.1.call-start
scs
__scs_entry_jumppad:
0x0: {  	(pc) =	sbr.rel $0x88, $3  }
0x1: {  	(tag) =	ssettag $0x0;
	lr =	simm.s32 $0x1  }
0x2: {  	[smem:$0x3F9F] =	sst lr;
	_ =	strace $0xD0000000  }
0x3: {  	_ = 	snop  }
0x4: {  	_ = 	snop  }
0x5: {  	_ = 	snop  }
0x6: {  	_ = 	snop  }
0x7: {  	_ = 	snop  }
__scs_overlays_trampoline_lowered:
0x8: {  	[smem:$0x3FAE] =	sst s0  }
0x9: {  	[smem:$0x3FAF] =	sst s1  }
0xa: {  	[smem:$0x3FB0] =	sst s2  }
0xb: {  	[smem:$0x3FB1] =	sst s3  }
0xc: {  	[smem:$0x3FB2] =	sst s4  }
0xd: {  	[smem:$0x3FB3] =	sst s5  }
0xe: {  	[smem:$0x3FB4] =	sst s6  }
0xf: {  	[smem:$0x3FB5] =	sst s7  }
0x10: {  	[smem:$0x3FB6] =	sst s8  }
0x11: {  	[smem:$0x3FB7] =	sst s9;
	s0 =	simm.s32 @!p0 $0x0  }
0x12: {  	s1 =	sld [smem:$0x3F9D];
	s0 =	simm.s32 @p0 $0x1  }
0x13: {  	[smem:$0x3FB8] =	sst s0;
	s0 =	simm.s32 @!p1 $0x0  }
0x14: {  	s2 =	sld [smem:$0x3F9C];
	s0 =	simm.s32 @p1 $0x1  }
0x15: {  	[smem:$0x3FB9] =	sst s0;
	s0 =	simm.s32 @!p2 $0x0  }
0x16: {  	s3 =	sld [smem:$0x3FDB];
	s0 =	simm.s32 @p2 $0x1  }
0x17: {  	s4 =	simm.s32 $0x1BF5;
	[smem:$0x3FBB] =	sst s0  }
0x18: {  	s0 =	sld [smem:$0x3F9E];
	_ =	swait.ge [sflag:s4], $0x0  }
0x19: {  	s7 =	sld [smem:$0x3F9F]  }
0x1a: {  	s8 =	sadd.s32 $0xFFFFE003, lr  }
0x1b: {  	s9 =	sadd.s32 $0xFFFFFEF7, lr;
	s5 =	simm.s32 $0xFFFFFFFF;
	p2 =	slt.u32 s8, $0xFFFFF086  }
0x1c: {  	p1 =	slt.u32 s9, $0xF7A;
	s5 =	simm.s32 @!p2 $0x0  }
0x1d: {  	s5 =	simm.s32 @p1 $0x1;
	p0 =	seq.s32 s7, s2  }
0x1e: {  	s7 =	smul.u32 @!p0 $0xF7A, s2;
	p2 =	seq.s32 @!p0 s5, $0x0  }
0x1f: {  	s9 =	smul.u32 $0xF7A, s1;
	s8 =	simm.s32 @!p0 $0x1BF5;
	p2 =	por !p2, p0  }
0x20: {  	[sflag:s8] =	ssyncset.s32 @!p0 $0xFFFFF086;
	s6 =	sadd.s32 @!p0 s3, s7;
	s7 =	simm.s32 @!p0 $0x108  }
0x21: {  	s3 =	sadd.s32 s3, s9;
	s6 =	sadd.s32 @!p0 $0x88, s6;
	s7 =	simm.s32 @p2 $0x1082  }
0x22: {  	[simem:s7], [sflag:s8] =	dma.local @!p0 [hbm:s6], $0xF7A  }
0x23: {  	s9 =	sor.u32 $0xD0000000, s2;
	s6 =	simm.s32 $0x108;
	_ =	swait.ge @!p0 [sflag:s8], $0x0  }
0x24: {  	s3 =	sadd.s32 $0x88, s3;
	s6 =	simm.s32 @!p1 $0x1082;
	[sflag:s4] =	ssyncset.s32 $0xFFFFF086  }
0x25: {  	[simem:s6], [sflag:s4] =	dma.local [hbm:s3], $0xF7A  }
0x26: {  	[smem:$0x3F9F] =	sst s1;
	(tag) =	ssettag s2;
	_ =	strace s9  }
0x27: {  	s1 =	sld [smem:$0x3FAF]  }
0x28: {  	s2 =	sld [smem:$0x3FB0]  }
0x29: {  	s4 =	sld [smem:$0x3FB2]  }
0x2a: {  	p0 =	seq.s32 s5, $0x0;
	s5 =	sld [smem:$0x3FB3]  }
0x2b: {  	s6 =	sld [smem:$0x3FB4]  }
0x2c: {  	s7 =	sld [smem:$0x3FB5]  }
0x2d: {  	s3 =	simm.s32 $0x108;
	s8 =	sld [smem:$0x3FB6]  }
0x2e: {  	s3 =	simm.s32 @!p0 $0x1082;
	s9 =	sld [smem:$0x3FB7]  }
0x2f: {  	lr =	sadd.s32 s0, s3;
	s0 =	sld [smem:$0x3FAE]  }
0x30: {  	s3 =	sld [smem:$0x3FB1]  }
0x31: {  	[smem:$0x3FBA] =	sst s10  }
0x32: {  	s10 =	sld [smem:$0x3FB8];
	_ =	sdelay $0x3  }
0x33: {  	p0 =	seq.s32 s10, $0x1;
	s10 =	sld [smem:$0x3FBA];
	_ =	sdelay $0x3  }
0x34: {  	[smem:$0x3FBA] =	sst s10  }
0x35: {  	s10 =	sld [smem:$0x3FB9];
	_ =	sdelay $0x3  }
0x36: {  	p1 =	seq.s32 s10, $0x1;
	s10 =	sld [smem:$0x3FBA];
	_ =	sdelay $0x3  }
0x37: {  	[smem:$0x3FBA] =	sst s10  }
0x38: {  	s10 =	sld [smem:$0x3FBB]  }
0x39: {  	_ = 	snop;
	(pc) =	sbr.ind lr, $3  }
0x3a: {  	_ = 	snop  }
0x3b: {  	_ = 	snop  }
0x3c: {  	p2 =	seq.s32 s10, $0x1;
	s10 =	sld [smem:$0x3FBA]  }
0x3d: {  	_ =	shalt  }
0x3e: {  	_ =	shalt  }
0x3f: {  	_ =	shalt  }
0x40: {  	_ =	shalt  }
0x41: {  	_ =	shalt  }
0x42: {  	_ =	shalt  }
0x43: {  	_ =	shalt  }
0x44: {  	_ =	shalt  }
0x45: {  	_ =	shalt  }
0x46: {  	_ =	shalt  }
0x47: {  	_ =	shalt  }
0x48: {  	_ =	shalt  }
0x49: {  	_ =	shalt  }
0x4a: {  	_ =	shalt  }
0x4b: {  	_ =	shalt  }
0x4c: {  	_ =	shalt  }
0x4d: {  	_ =	shalt  }
0x4e: {  	_ =	shalt  }
0x4f: {  	_ =	shalt  }
0x50: {  	_ =	shalt  }
0x51: {  	_ =	shalt  }
0x52: {  	_ =	shalt  }
0x53: {  	_ =	shalt  }
0x54: {  	_ =	shalt  }
0x55: {  	_ =	shalt  }
0x56: {  	_ =	shalt  }
0x57: {  	_ =	shalt  }
0x58: {  	_ =	shalt  }
0x59: {  	_ =	shalt  }
0x5a: {  	_ =	shalt  }
0x5b: {  	_ =	shalt  }
0x5c: {  	_ =	shalt  }
0x5d: {  	_ =	shalt  }
0x5e: {  	_ =	shalt  }
0x5f: {  	_ =	shalt  }
0x60: {  	_ =	shalt  }
0x61: {  	_ =	shalt  }
0x62: {  	_ =	shalt  }
0x63: {  	_ =	shalt  }
0x64: {  	_ =	shalt  }
0x65: {  	_ =	shalt  }
0x66: {  	_ =	shalt  }
0x67: {  	_ =	shalt  }
0x68: {  	_ =	shalt  }
0x69: {  	_ =	shalt  }
0x6a: {  	_ =	shalt  }
0x6b: {  	_ =	shalt  }
0x6c: {  	_ =	shalt  }
0x6d: {  	_ =	shalt  }
0x6e: {  	_ =	shalt  }
0x6f: {  	_ =	shalt  }
0x70: {  	_ =	shalt  }
0x71: {  	_ =	shalt  }
0x72: {  	_ =	shalt  }
0x73: {  	_ =	shalt  }
0x74: {  	_ =	shalt  }
0x75: {  	_ =	shalt  }
0x76: {  	_ =	shalt  }
0x77: {  	_ =	shalt  }
0x78: {  	_ =	shalt  }
0x79: {  	_ =	shalt  }
0x7a: {  	_ =	shalt  }
0x7b: {  	_ =	shalt  }
0x7c: {  	_ =	shalt  }
0x7d: {  	_ =	shalt  }
0x7e: {  	_ =	shalt  }
0x7f: {  	_ =	shalt  }
0x80: {  	_ =	shalt  }
0x81: {  	_ =	shalt  }
0x82: {  	_ =	shalt  }
0x83: {  	_ =	shalt  }
0x84: {  	_ =	shalt  }
0x85: {  	_ =	shalt  }
0x86: {  	_ =	shalt  }
0x87: {  	_ =	shalt  }
.Lfunc_end0:
.L_simem_size_0:
called_computation_lowered:
.L_overlay_start_0:
0x88: {  	s2 =	sld [smem:$0x3FD9]  }
0x89: {  	s3 =	sld [smem:$0x3FFE];
	_ =	sdelay $0x1  }
0x8a: {  	s1 =	srdreg.scid  }
0x8b: {  	s0 =	sand.u32 $0x1, s1  }
0x8c: {  	s15 =	sshll.u32 s0, $0xA;
	s2 =	sadd.s32 s3, s2  }
0x8d: {  	s2 =	sadd.s32 s2, s15  }
0x8e: {  	[smem:$0x3FC6] =	sst s2  }
0x8f: {  	_ = 	snop  }
0x90: {  	s2 =	sld [smem:$0x3FD0];
	_ =	sdelay $0x2  }
0x91: {  	s4 =	simm.s32 $0xA;
	s5 =	simm.s32 $0x10;
	s16 =	sld [smem:$0x3FC8]  }
0x92: {  	[smem:s5], [sflag:s4] =	dma.local [hbm:s2], $0x1  }
0x93: {  	_ =	swait.eq [sflag:s4], $0x1  }
0x94: {  	[sflag:s4] =	ssyncset.done $0x0  }
0x95: {  	s17 =	sld [smem:$0x10];
	[sflag:s4] =	ssyncadd.s32 $0xFFFFFFFF  }
0x96: {  	s18 =	sld [smem:$0x12];
	(tm) =	ssettm $0x1  }
0x97: {  	s19 =	sld [smem:$0x3FFB];
	_ =	sdelay $0x3  }
0x98: {  	_ =	strace s19  }
0x99: {  	s5 =	sld [smem:$0x3FFC];
	_ =	sdelay $0x3  }
0x9a: {  	_ =	strace s5  }
0x9b: {  	s5 =	sld [smem:$0x3FFD];
	_ =	sdelay $0x3  }
0x9c: {  	_ =	strace s5  }
0x9d: {  	_ =	strace $0x8FFFFFFF  }
0x9e: {  	s20 =	sld [smem:$0x3FDB];
	_ =	sdelay $0x1  }
0x9f: {  	s6 =	simm.s32 $_scs_section_size  }
0xa0: {  	s7 =	simm.s32 $_size__tile_overlayer_lowered;
	s8 =	simm.s32 $_tile_overlayer_lowered  }
0xa1: {  	s23 =	simm.s32 $0x1BFF;
	s22 =	sshll.u32 s8, $0x1;
	s5 =	sadd.s32 s6, s20  }
0xa2: {  	s9 =	simm.s32 $0x0;
	s21 =	sshll.u32 s7, $0x1;
	s7 =	sadd.s32 s22, s5  }
0xa3: {  	[timem:s9], [sflag:s23] =	dma.local [hbm:s7], s21  }
0xa4: {  	_ =	swait.ge [sflag:s23], s21  }
0xa5: {  	s6 =	ssub.s32 $0x0, s21;
	[sflag:s23] =	ssyncset.done $0x0  }
0xa6: {  	[sflag:s23] =	ssyncadd.s32 s6;
	_ =	sdelay $0x1  }
0xa7: {  	s24 =	simm.s32 $0x1B8B  }
0xa8: {  	_ =	swait.ge [sflag:s24], $0x1  }
0xa9: {  	[sflag:s24] =	ssyncset.done $0x0  }
0xaa: {  	s25 =	simm.s32 $0x1B8E;
	[sflag:s24] =	ssyncadd.s32 $0xFFFFFFFF  }
0xab: {  	s26 =	simm.s32 $execute0_lowered;
	[smem:$0x3FD2] =	sst s25  }
0xac: {  	s6 =	sshll.u32 s26, $0x1;
	_ =	strace $0x80000046;
	[dreg:$0x1] =	wrdreg $0xFFFFFFFF  }
0xad: {  	s28 =	simm.s32 $_size_execute0_lowered;
	s5 =	sadd.s32 s5, s6;
	[dreg:$0x0] =	wrdreg $0x0  }
0xae: {  	s6 =	sshll.u32 s28, $0x1;
	[dreg:$0x2] =	wrdreg s5  }
0xaf: {  	[dreg:$0x3] =	wrdreg s6  }
0xb0: {  	[dreg:$0x4] =	wrdreg $0xC0  }
0xb1: {  	_ =	task [dreg:s9], $0x5FFFF  }
0xb2: {  	[dreg:$0x1] =	wrdreg $0xFFFFFFFF  }
0xb3: {  	[dreg:$0x0] =	wrdreg $0x60  }
0xb4: {  	[dreg:$0x2] =	wrdreg s16  }
0xb5: {  	[dreg:$0x3] =	wrdreg s17  }
0xb6: {  	[dreg:$0x4] =	wrdreg s18  }
0xb7: {  	[dreg:$0x5] =	wrdreg $0x9  }
0xb8: {  	_ =	task.clear_ibuf [dreg:s9], $0x6FFFF;
	_ =	strace $0x90000046  }
0xb9: {  	s29 =	simm.s32 $0x9;
	_ =	strace $0x80000048  }
0xba: {  	_ =	swait.ge [sflag:s29], $0x1  }
0xbb: {  	[sflag:s29] =	ssyncadd.s32 $0xFFFFFFFF  }
0xbc: {  	_ =	strace $0x90000048  }
0xbd: {  	_ =	sfence  }
0xbe: {  	s30 =	sld [smem:$0x0];
	_ =	sdelay $0x2  }
0xbf: {  	s31 =	sshll.u32 s1, $0xD;
	s1 =	sshrl.u32 s1, $0x2  }
0xc0: {  	s3 =	sand.u32 $0x4000, s31;
	s1 =	sadd.s32 s1, s30  }
0xc1: {  	s0 =	sor.u32 s3, s0;
	s1 =	sshll.u32 s1, $0x11  }
0xc2: {  	s0 =	sor.u32 s1, s0  }
0xc3: {  	s0 =	sadd.s32 $0x8F2B, s0  }
0xc4: {  	[sflag:s0] =	ssyncadd.remote.s32 $0x1  }
0xc5: {  	_ =	sfence.sel $0xFFFF  }
0xc6: {  	[dreg:$0x0] =	wrdreg $0xFFFFFFFF;
	(pc) =	sbr.abs _section_cstart, $3  }
0xc7: {  	[dreg:$0x1] =	wrdreg $0xFFFFFFFF  }
0xc8: {  	_ =	task.clear_ibuf [dreg:s9], $0x2FFFF;
	_ =	strace $0x9FFFFFFF  }
0xc9: {  	(tm) =	ssettm $0x7FFFFFFF  }
tec
execute0_lowered:
.L_overlay_start_1:
0x0: {  	(tag) =	ssettag $0x1  }
0x1: {  	s1 =	rddreg [dreg:$0x0]  }
0x2: {  	s2 =	srdreg.scid;
	s4 =	rddreg [dreg:$0x1]  }
0x3: {  	s0 =	stileid.u32;
	s5 =	rddreg [dreg:$0x2];
	s3 =	simm.s32 $0x0  }
0x4: {  	s17 =	simm.s32 $0x900;
	s18 =	simm.s32 $0x1100;
	s19 =	simm.s32 $0x1900  }
0x5: {  	s20 =	simm.s32 $0x2100;
	s21 =	simm.s32 $0x2900;
	s22 =	simm.s32 $0x3100  }
0x6: {  	s24 =	simm.s32 $0x3900;
	s25 =	simm.s32 $0x4100;
	[smem:$0x7FF] =	sst s3  }
0x7: {  	s26 =	simm.s32 $0x4900;
	_ =	strace $0x80000047;
	[dreg:$0x6] =	wrdreg s17  }
0x8: {  	s9 =	simm.s32 $0x5900;
	s10 =	simm.s32 $0x6100;
	[dreg:$0x7] =	wrdreg s18  }
0x9: {  	s11 =	simm.s32 $0x6900;
	s12 =	simm.s32 $0x7100;
	[dreg:$0x8] =	wrdreg s19  }
0xa: {  	s13 =	simm.s32 $0x7900;
	s14 =	simm.s32 $0x8100;
	[dreg:$0x9] =	wrdreg s20  }
0xb: {  	s15 =	simm.s32 $0x8900;
	s16 =	simm.s32 $0x9100;
	[dreg:$0xa] =	wrdreg s21  }
0xc: {  	s28 =	simm.s32 $0xE900;
	s29 =	simm.s32 $0xF100;
	[dreg:$0xb] =	wrdreg s22  }
0xd: {  	s30 =	simm.s32 $0xF900;
	s31 =	simm.s32 $0x1;
	[dreg:$0xc] =	wrdreg s24  }
0xe: {  	s2 =	sand.u32 $0x1, s2;
	s6 =	sshll.u32 s0, $0x9;
	[dreg:$0xd] =	wrdreg s25  }
0xf: {  	s7 =	sshll.u32 s2, $0x8;
	s2 =	ssub.s32 $0x2, s2;
	[dreg:$0xe] =	wrdreg s26  }
0x10: {  	s17 =	simm.s32 $0x9900;
	s18 =	simm.s32 $0xA100;
	s19 =	simm.s32 $0xA900  }
0x11: {  	s20 =	simm.s32 $0xB100;
	s21 =	simm.s32 $0xB900;
	s22 =	simm.s32 $0xC100  }
0x12: {  	s24 =	simm.s32 $0xD100;
	s25 =	simm.s32 $0xD900;
	s6 =	sor.u32 s7, s6  }
0x13: {  	s26 =	simm.s32 $0xE100;
	s23 =	sshrl.u32 s2, $0x1;
	s7 =	sshrl.u32 s6, $0x3  }
0x14: {  	s6 =	sshll.u32 s6, $0x5;
	s2 =	ssub.s32 s2, s23;
	s23 =	simm.s32 $0xC900  }
0x15: {  	v2 =	vlaneseq.u32;
	s7 =	sadd.s32 s4, s7;
	s4 =	sadd.s32 s5, s6;
	s6 =	simm.s32 $0x3  }
0x16: {  	vm0 =	vmmov $0xffff;
	v1 =	vshrl.u32 v2, $0x3;
	[dreg:$0x4] =	wrdreg s7;
	s5 =	sadd.s32 $0x1000, s4;
	s7 =	simm.s32 $0x100  }
0x17: {  	v0 =	vand.u32 $0x7, v2;
	v2 =	vor.u32 $0x8, v2;
	v1 =	vmul.u32 $0x8, v1;
	[dreg:$0x5] =	wrdreg s5;
	s5 =	smax.u32 s2, $0x1;
	s2 =	simm.s32 $0x2  }
.LBB2_1:
0x18: {  	s0 =	rddreg [dreg:$0x4]  }
0x19: {  	[tilespmem:s3], [sflag:$0x3] =	stream.linear.gather [hbm4b:s0+s3], $0x100, $0x38;
	[tilespmem:$0x10100] =	vst v63  }
0x1a: {  	_ =	swait.ge [sflag:s6], $0x100  }
0x1b: {  	[sflag:s6] =	ssyncset.done $0x0  }
0x1c: {  	[sflag:s6] =	ssyncadd.s32 $0xFFFFFF00  }
0x1d: {  	v3 =	vld [tilespmem:$0x0];
	_ =	sdelay $0x4  }
0x1e: {  	v4 =	vshll.u32 v3, $0x1  }
0x1f: {  	v3 =	vand.u32 $0x7, v3;
	v4 =	vand.u32 $0xFFFFFFF0, v4  }
0x20: {  	v3 =	vor.u32 v3, v4  }
0x21: {  	v4 =	vperm.xlane v3, v0;
	_ =	sdelay $0x1  }
0x22: {  	v3 =	vperm.xlane v3, v2;
	v4 =	vadd.s32 v1, v4;
	_ =	sdelay $0x1  }
0x23: {  	v3 =	vadd.s32 v1, v3;
	_ =	sdelay $0x2  }
0x24: {  	[tilespmem:s7], [sflag:$0x1] =	stream.indirect_vreg.gather [hbm4b:s1+s3], $0x80, v4, vm0, $0xb8;
	[tilespmem:$0x10100] =	vst v63  }
0x25: {  	s8 =	rddreg [dreg:$0x6]  }
0x26: {  	[tilespmem:s8], [sflag:$0x1] =	stream.indirect_vreg.gather [hbm4b:s1+s3], $0x80, v3, vm0, $0xb8;
	[tilespmem:$0x10100] =	vst v63  }
0x27: {  	v3 =	vld [tilespmem:$0x10];
	_ =	sdelay $0x4  }
0x28: {  	v49 =	vshll.u32 v3, $0x1  }
0x29: {  	v3 =	vand.u32 $0x7, v3;
	v4 =	vand.u32 $0xFFFFFFF0, v49  }
0x2a: {  	v3 =	vor.u32 v3, v4  }
0x2b: {  	v4 =	vperm.xlane v3, v0;
	_ =	sdelay $0x1  }
0x2c: {  	v3 =	vperm.xlane v3, v2;
	v4 =	vadd.s32 v1, v4;
	_ =	sdelay $0x1  }
0x2d: {  	v3 =	vadd.s32 v1, v3;
	_ =	sdelay $0x1  }
0x2e: {  	s0 =	rddreg [dreg:$0x7]  }
0x2f: {  	[tilespmem:s0], [sflag:$0x1] =	stream.indirect_vreg.gather [hbm4b:s1+s3], $0x80, v4, vm0, $0xb8;
	[tilespmem:$0x10100] =	vst v63  }
0x30: {  	s8 =	rddreg [dreg:$0x8]  }
0x31: {  	[tilespmem:s8], [sflag:$0x1] =	stream.indirect_vreg.gather [hbm4b:s1+s3], $0x80, v3, vm0, $0xb8;
	[tilespmem:$0x10100] =	vst v63  }
0x32: {  	v3 =	vld [tilespmem:$0x20];
	_ =	sdelay $0x4  }
0x33: {  	v50 =	vshll.u32 v3, $0x1  }
0x34: {  	v3 =	vand.u32 $0x7, v3;
	v4 =	vand.u32 $0xFFFFFFF0, v50  }
0x35: {  	v3 =	vor.u32 v3, v4  }
0x36: {  	v4 =	vperm.xlane v3, v0;
	_ =	sdelay $0x1  }
0x37: {  	v3 =	vperm.xlane v3, v2;
	v4 =	vadd.s32 v1, v4;
	_ =	sdelay $0x1  }
0x38: {  	v3 =	vadd.s32 v1, v3;
	_ =	sdelay $0x1  }
0x39: {  	s0 =	rddreg [dreg:$0x9]  }
0x3a: {  	[tilespmem:s0], [sflag:$0x1] =	stream.indirect_vreg.gather [hbm4b:s1+s3], $0x80, v4, vm0, $0xb8;
	[tilespmem:$0x10100] =	vst v63  }
0x3b: {  	s8 =	rddreg [dreg:$0xa]  }
0x3c: {  	[tilespmem:s8], [sflag:$0x1] =	stream.indirect_vreg.gather [hbm4b:s1+s3], $0x80, v3, vm0, $0xb8;
	[tilespmem:$0x10100] =	vst v63  }
0x3d: {  	v3 =	vld [tilespmem:$0x30];
	_ =	sdelay $0x4  }
0x3e: {  	v51 =	vshll.u32 v3, $0x1  }
0x3f: {  	v3 =	vand.u32 $0x7, v3;
	v4 =	vand.u32 $0xFFFFFFF0, v51  }
0x40: {  	v3 =	vor.u32 v3, v4  }
0x41: {  	v4 =	vperm.xlane v3, v0;
	_ =	sdelay $0x1  }
0x42: {  	v3 =	vperm.xlane v3, v2;
	v4 =	vadd.s32 v1, v4;
	_ =	sdelay $0x1  }
0x43: {  	v3 =	vadd.s32 v1, v3;
	_ =	sdelay $0x1  }
0x44: {  	s0 =	rddreg [dreg:$0xb]  }
0x45: {  	[tilespmem:s0], [sflag:$0x1] =	stream.indirect_vreg.gather [hbm4b:s1+s3], $0x80, v4, vm0, $0xb8;
	[tilespmem:$0x10100] =	vst v63  }
0x46: {  	s8 =	rddreg [dreg:$0xc]  }
0x47: {  	[tilespmem:s8], [sflag:$0x1] =	stream.indirect_vreg.gather [hbm4b:s1+s3], $0x80, v3, vm0, $0xb8;
	[tilespmem:$0x10100] =	vst v63  }
0x48: {  	v3 =	vld [tilespmem:$0x40];
	_ =	sdelay $0x4  }
0x49: {  	v52 =	vshll.u32 v3, $0x1  }
0x4a: {  	v3 =	vand.u32 $0x7, v3;
	v4 =	vand.u32 $0xFFFFFFF0, v52  }
0x4b: {  	v3 =	vor.u32 v3, v4  }
0x4c: {  	v4 =	vperm.xlane v3, v0;
	_ =	sdelay $0x1  }
0x4d: {  	v3 =	vperm.xlane v3, v2;
	v4 =	vadd.s32 v1, v4;
	_ =	sdelay $0x1  }
0x4e: {  	v3 =	vadd.s32 v1, v3;
	_ =	sdelay $0x1  }
0x4f: {  	s0 =	rddreg [dreg:$0xd]  }
0x50: {  	[tilespmem:s0], [sflag:$0x1] =	stream.indirect_vreg.gather [hbm4b:s1+s3], $0x80, v4, vm0, $0xb8;
	[tilespmem:$0x10100] =	vst v63  }
0x51: {  	s8 =	rddreg [dreg:$0xe]  }
0x52: {  	[tilespmem:s8], [sflag:$0x1] =	stream.indirect_vreg.gather [hbm4b:s1+s3], $0x80, v3, vm0, $0xb8;
	[tilespmem:$0x10100] =	vst v63  }
0x53: {  	v3 =	vld [tilespmem:$0x50];
	_ =	sdelay $0x4  }
0x54: {  	v53 =	vshll.u32 v3, $0x1  }
0x55: {  	v3 =	vand.u32 $0x7, v3;
	v4 =	vand.u32 $0xFFFFFFF0, v53  }
0x56: {  	v3 =	vor.u32 v3, v4  }
0x57: {  	v4 =	vperm.xlane v3, v0;
	_ =	sdelay $0x1  }
0x58: {  	v3 =	vperm.xlane v3, v2;
	v4 =	vadd.s32 v1, v4;
	_ =	sdelay $0x1  }
0x59: {  	v3 =	vadd.s32 v1, v3;
	_ =	sdelay $0x1  }
0x5a: {  	s8 =	simm.s32 $0x5100  }
0x5b: {  	[tilespmem:s8], [sflag:$0x1] =	stream.indirect_vreg.gather [hbm4b:s1+s3], $0x80, v4, vm0, $0xb8;
	[tilespmem:$0x10100] =	vst v63  }
0x5c: {  	_ = 	snop  }
0x5d: {  	[tilespmem:s9], [sflag:$0x1] =	stream.indirect_vreg.gather [hbm4b:s1+s3], $0x80, v3, vm0, $0xb8;
	[tilespmem:$0x10100] =	vst v63  }
0x5e: {  	v3 =	vld [tilespmem:$0x60];
	_ =	sdelay $0x4  }
0x5f: {  	v54 =	vshll.u32 v3, $0x1  }
0x60: {  	v3 =	vand.u32 $0x7, v3;
	v4 =	vand.u32 $0xFFFFFFF0, v54  }
0x61: {  	v3 =	vor.u32 v3, v4  }
0x62: {  	v4 =	vperm.xlane v3, v0;
	_ =	sdelay $0x1  }
0x63: {  	v3 =	vperm.xlane v3, v2;
	v4 =	vadd.s32 v1, v4;
	_ =	sdelay $0x1  }
0x64: {  	v3 =	vadd.s32 v1, v3;
	_ =	sdelay $0x2  }
0x65: {  	[tilespmem:s10], [sflag:$0x1] =	stream.indirect_vreg.gather [hbm4b:s1+s3], $0x80, v4, vm0, $0xb8;
	[tilespmem:$0x10100] =	vst v63  }
0x66: {  	_ = 	snop  }
0x67: {  	[tilespmem:s11], [sflag:$0x1] =	stream.indirect_vreg.gather [hbm4b:s1+s3], $0x80, v3, vm0, $0xb8;
	[tilespmem:$0x10100] =	vst v63  }
0x68: {  	v3 =	vld [tilespmem:$0x70];
	_ =	sdelay $0x4  }
0x69: {  	v55 =	vshll.u32 v3, $0x1  }
0x6a: {  	v3 =	vand.u32 $0x7, v3;
	v4 =	vand.u32 $0xFFFFFFF0, v55  }
0x6b: {  	v3 =	vor.u32 v3, v4  }
0x6c: {  	v4 =	vperm.xlane v3, v0;
	_ =	sdelay $0x1  }
0x6d: {  	v3 =	vperm.xlane v3, v2;
	v4 =	vadd.s32 v1, v4;
	_ =	sdelay $0x1  }
0x6e: {  	v3 =	vadd.s32 v1, v3;
	_ =	sdelay $0x2  }
0x6f: {  	[tilespmem:s12], [sflag:$0x1] =	stream.indirect_vreg.gather [hbm4b:s1+s3], $0x80, v4, vm0, $0xb8;
	[tilespmem:$0x10100] =	vst v63  }
0x70: {  	_ = 	snop  }
0x71: {  	[tilespmem:s13], [sflag:$0x1] =	stream.indirect_vreg.gather [hbm4b:s1+s3], $0x80, v3, vm0, $0xb8;
	[tilespmem:$0x10100] =	vst v63  }
0x72: {  	v3 =	vld [tilespmem:$0x80];
	_ =	sdelay $0x4  }
0x73: {  	v56 =	vshll.u32 v3, $0x1  }
0x74: {  	v3 =	vand.u32 $0x7, v3;
	v4 =	vand.u32 $0xFFFFFFF0, v56  }
0x75: {  	v3 =	vor.u32 v3, v4  }
0x76: {  	v4 =	vperm.xlane v3, v0;
	_ =	sdelay $0x1  }
0x77: {  	v3 =	vperm.xlane v3, v2;
	v4 =	vadd.s32 v1, v4;
	_ =	sdelay $0x1  }
0x78: {  	v3 =	vadd.s32 v1, v3;
	_ =	sdelay $0x2  }
0x79: {  	[tilespmem:s14], [sflag:$0x1] =	stream.indirect_vreg.gather [hbm4b:s1+s3], $0x80, v4, vm0, $0xb8;
	[tilespmem:$0x10100] =	vst v63  }
0x7a: {  	_ = 	snop  }
0x7b: {  	[tilespmem:s15], [sflag:$0x1] =	stream.indirect_vreg.gather [hbm4b:s1+s3], $0x80, v3, vm0, $0xb8;
	[tilespmem:$0x10100] =	vst v63  }
0x7c: {  	v3 =	vld [tilespmem:$0x90];
	_ =	sdelay $0x4  }
0x7d: {  	v57 =	vshll.u32 v3, $0x1  }
0x7e: {  	v3 =	vand.u32 $0x7, v3;
	v4 =	vand.u32 $0xFFFFFFF0, v57  }
0x7f: {  	v3 =	vor.u32 v3, v4  }
0x80: {  	v4 =	vperm.xlane v3, v0;
	_ =	sdelay $0x1  }
0x81: {  	v3 =	vperm.xlane v3, v2;
	v4 =	vadd.s32 v1, v4;
	_ =	sdelay $0x1  }
0x82: {  	v3 =	vadd.s32 v1, v3;
	_ =	sdelay $0x2  }
0x83: {  	[tilespmem:s16], [sflag:$0x1] =	stream.indirect_vreg.gather [hbm4b:s1+s3], $0x80, v4, vm0, $0xb8;
	[tilespmem:$0x10100] =	vst v63  }
0x84: {  	_ = 	snop  }
0x85: {  	[tilespmem:s17], [sflag:$0x1] =	stream.indirect_vreg.gather [hbm4b:s1+s3], $0x80, v3, vm0, $0xb8;
	[tilespmem:$0x10100] =	vst v63  }
0x86: {  	v3 =	vld [tilespmem:$0xA0];
	_ =	sdelay $0x4  }
0x87: {  	v58 =	vshll.u32 v3, $0x1  }
0x88: {  	v3 =	vand.u32 $0x7, v3;
	v4 =	vand.u32 $0xFFFFFFF0, v58  }
0x89: {  	v3 =	vor.u32 v3, v4  }
0x8a: {  	v4 =	vperm.xlane v3, v0;
	_ =	sdelay $0x1  }
0x8b: {  	v3 =	vperm.xlane v3, v2;
	v4 =	vadd.s32 v1, v4;
	_ =	sdelay $0x1  }
0x8c: {  	v3 =	vadd.s32 v1, v3;
	_ =	sdelay $0x2  }
0x8d: {  	[tilespmem:s18], [sflag:$0x1] =	stream.indirect_vreg.gather [hbm4b:s1+s3], $0x80, v4, vm0, $0xb8;
	[tilespmem:$0x10100] =	vst v63  }
0x8e: {  	_ = 	snop  }
0x8f: {  	[tilespmem:s19], [sflag:$0x1] =	stream.indirect_vreg.gather [hbm4b:s1+s3], $0x80, v3, vm0, $0xb8;
	[tilespmem:$0x10100] =	vst v63  }
0x90: {  	v3 =	vld [tilespmem:$0xB0];
	_ =	sdelay $0x4  }
0x91: {  	v59 =	vshll.u32 v3, $0x1  }
0x92: {  	v3 =	vand.u32 $0x7, v3;
	v4 =	vand.u32 $0xFFFFFFF0, v59  }
0x93: {  	v3 =	vor.u32 v3, v4  }
0x94: {  	v4 =	vperm.xlane v3, v0;
	_ =	sdelay $0x1  }
0x95: {  	v3 =	vperm.xlane v3, v2;
	v4 =	vadd.s32 v1, v4;
	_ =	sdelay $0x1  }
0x96: {  	v3 =	vadd.s32 v1, v3;
	_ =	sdelay $0x2  }
0x97: {  	[tilespmem:s20], [sflag:$0x1] =	stream.indirect_vreg.gather [hbm4b:s1+s3], $0x80, v4, vm0, $0xb8;
	[tilespmem:$0x10100] =	vst v63  }
0x98: {  	_ = 	snop  }
0x99: {  	[tilespmem:s21], [sflag:$0x1] =	stream.indirect_vreg.gather [hbm4b:s1+s3], $0x80, v3, vm0, $0xb8;
	[tilespmem:$0x10100] =	vst v63  }
0x9a: {  	v3 =	vld [tilespmem:$0xC0];
	_ =	sdelay $0x4  }
0x9b: {  	v60 =	vshll.u32 v3, $0x1  }
0x9c: {  	v3 =	vand.u32 $0x7, v3;
	v4 =	vand.u32 $0xFFFFFFF0, v60  }
0x9d: {  	v3 =	vor.u32 v3, v4  }
0x9e: {  	v4 =	vperm.xlane v3, v0;
	_ =	sdelay $0x1  }
0x9f: {  	v3 =	vperm.xlane v3, v2;
	v4 =	vadd.s32 v1, v4;
	_ =	sdelay $0x1  }
0xa0: {  	v3 =	vadd.s32 v1, v3;
	_ =	sdelay $0x2  }
0xa1: {  	[tilespmem:s22], [sflag:$0x1] =	stream.indirect_vreg.gather [hbm4b:s1+s3], $0x80, v4, vm0, $0xb8;
	[tilespmem:$0x10100] =	vst v63  }
0xa2: {  	_ = 	snop  }
0xa3: {  	[tilespmem:s23], [sflag:$0x1] =	stream.indirect_vreg.gather [hbm4b:s1+s3], $0x80, v3, vm0, $0xb8;
	[tilespmem:$0x10100] =	vst v63  }
0xa4: {  	v3 =	vld [tilespmem:$0xD0];
	_ =	sdelay $0x4  }
0xa5: {  	v61 =	vshll.u32 v3, $0x1  }
0xa6: {  	v3 =	vand.u32 $0x7, v3;
	v4 =	vand.u32 $0xFFFFFFF0, v61  }
0xa7: {  	v3 =	vor.u32 v3, v4  }
0xa8: {  	v4 =	vperm.xlane v3, v0;
	_ =	sdelay $0x1  }
0xa9: {  	v3 =	vperm.xlane v3, v2;
	v4 =	vadd.s32 v1, v4;
	_ =	sdelay $0x1  }
0xaa: {  	v3 =	vadd.s32 v1, v3;
	_ =	sdelay $0x2  }
0xab: {  	[tilespmem:s24], [sflag:$0x1] =	stream.indirect_vreg.gather [hbm4b:s1+s3], $0x80, v4, vm0, $0xb8;
	[tilespmem:$0x10100] =	vst v63  }
0xac: {  	_ = 	snop  }
0xad: {  	[tilespmem:s25], [sflag:$0x1] =	stream.indirect_vreg.gather [hbm4b:s1+s3], $0x80, v3, vm0, $0xb8;
	[tilespmem:$0x10100] =	vst v63  }
0xae: {  	v3 =	vld [tilespmem:$0xE0];
	_ =	sdelay $0x4  }
0xaf: {  	v62 =	vshll.u32 v3, $0x1  }
0xb0: {  	v3 =	vand.u32 $0x7, v3;
	v4 =	vand.u32 $0xFFFFFFF0, v62  }
0xb1: {  	v3 =	vor.u32 v3, v4  }
0xb2: {  	v4 =	vperm.xlane v3, v0;
	_ =	sdelay $0x1  }
0xb3: {  	v3 =	vperm.xlane v3, v2;
	v4 =	vadd.s32 v1, v4;
	_ =	sdelay $0x1  }
0xb4: {  	v3 =	vadd.s32 v1, v3;
	_ =	sdelay $0x2  }
0xb5: {  	[tilespmem:s26], [sflag:$0x1] =	stream.indirect_vreg.gather [hbm4b:s1+s3], $0x80, v4, vm0, $0xb8;
	[tilespmem:$0x10100] =	vst v63  }
0xb6: {  	_ = 	snop  }
0xb7: {  	[tilespmem:s28], [sflag:$0x1] =	stream.indirect_vreg.gather [hbm4b:s1+s3], $0x80, v3, vm0, $0xb8;
	[tilespmem:$0x10100] =	vst v63  }
0xb8: {  	v3 =	vld [tilespmem:$0xF0];
	_ =	sdelay $0x4  }
0xb9: {  	v63 =	vshll.u32 v3, $0x1  }
0xba: {  	v3 =	vand.u32 $0x7, v3;
	v4 =	vand.u32 $0xFFFFFFF0, v63  }
0xbb: {  	v3 =	vor.u32 v3, v4  }
0xbc: {  	v4 =	vperm.xlane v3, v0;
	_ =	sdelay $0x1  }
0xbd: {  	v3 =	vperm.xlane v3, v2;
	v4 =	vadd.s32 v1, v4;
	_ =	sdelay $0x1  }
0xbe: {  	v3 =	vadd.s32 v1, v3;
	_ =	sdelay $0x2  }
0xbf: {  	[tilespmem:s29], [sflag:$0x1] =	stream.indirect_vreg.gather [hbm4b:s1+s3], $0x80, v4, vm0, $0xb8;
	[tilespmem:$0x10100] =	vst v63  }
0xc0: {  	_ = 	snop  }
0xc1: {  	[tilespmem:s30], [sflag:$0x1] =	stream.indirect_vreg.gather [hbm4b:s1+s3], $0x80, v3, vm0, $0xb8;
	[tilespmem:$0x10100] =	vst v63  }
0xc2: {  	_ =	swait.ge [sflag:s31], $0x8000  }
0xc3: {  	[sflag:s31] =	ssyncset.done $0x0  }
0xc4: {  	[sflag:s31] =	ssyncadd.s32 $0xFFFF8000  }
0xc5: {  	[hbm4b:s4+s3] =	stream.linear.scatter [tilespmem:s7], [sflag:$0x2], $0x8000, $0x38;
	[tilespmem:$0x10100] =	vst v63  }
0xc6: {  	_ =	swait.ge [sflag:s31], $0x8000  }
0xc7: {  	[sflag:s31] =	ssyncset.done $0x0  }
0xc8: {  	s8 =	rddreg [dreg:$0x5];
	[sflag:s31] =	ssyncadd.s32 $0xFFFF8000  }
0xc9: {  	[hbm4b:s8+s3] =	stream.linear.scatter [tilespmem:s14], [sflag:$0x2], $0x8000, $0x38;
	[tilespmem:$0x10100] =	vst v63  }
0xca: {  	p0 =	sne.s32 s5, $0x1;
	_ =	swait.ge [sflag:s2], $0x8000  }
.Ltmp0:
0xcb: {  	[sflag:s2] =	ssyncset.done $0x0;
	(pc) =	sbr.rel @p0 .LBB2_1-.Ltmp0, $4  }
0xcc: {  	[sflag:s2] =	ssyncadd.s32 $0xFFFF8000  }
0xcd: {  	_ =	swait.ge [sflag:s2], $0x8000  }
0xce: {  	[sflag:s2] =	ssyncset.done $0x0  }
0xcf: {  	s5 =	sadd.s32 $0xFFFFFFFF, s5;
	[sflag:s2] =	ssyncadd.s32 $0xFFFF8000  }
0xd0: {  	_ =	sfence.sel $0x180000  }
0xd1: {  	[bflag:$0x0] =	sbarrier.arrive $0xFFFF  }
0xd2: {  	_ =	strace $0x90000047  }
0xd3: {  	s0 =	stileid.u32;
	[bflag:$0x2] =	sbarrier.arrive $0xFFFF  }
0xd4: {  	p0 =	sne.s32 s0, $0x0;
	s0 =	rddreg [dreg:$0x3]  }
0xd5: {  	s0 =	sadd.s32 @!p0 $0x100000, s0  }
0xd6: {  	[sflag:s0] =	ssyncadd.tile.s32 @!p0 $0x1;
	_ =	shalt  }
.Lfunc_end2:
_tile_overlayer_lowered:
.L_overlay_start_2:
0xd7: {  	(tag) =	ssettag $0x2  }
0xd8: {  	s0 =	rddreg [dreg:$0x0];
	s2 =	stileid.u32  }
0xd9: {  	s1 =	rddreg [dreg:$0x1];
	p0 =	sne.s32 s2, $0x0  }
0xda: {  	s3 =	rddreg [dreg:$0x2];
	[bflag:$0x3] =	sbarrier.arrive $0xFFFF;
	s2 =	simm.s32 @!p0 $0x1C03  }
0xdb: {  	[timem:s3], [sflag:s2] =	dma.local @!p0 [hbm:s0], s1  }
0xdc: {  	s0 =	simm.s32 @!p0 $0x3  }
0xdd: {  	_ =	swait.ge @!p0 [sflag:s0], s1  }
0xde: {  	s1 =	ssub.s32 @!p0 $0x0, s1;
	[sflag:s0] =	ssyncset.done @!p0 $0x0  }
0xdf: {  	[sflag:s0] =	ssyncadd.s32 @!p0 s1  }
0xe0: {  	[bflag:$0x3] =	sbarrier.arrive $0xFFFF  }
0xe1: {  	_ =	shalt  }

</sc_bundles>
